<compile_context>
chip_gen: v7x
topology: tpu7x:2x2x1
jax: 0.10.2.dev20260603
libtpu: 0.0.44.dev20260713+nightly
codegen_flags: <defaults>
</compile_context>

<pallas_src>
import functools
import jax
import jax.numpy as jnp
from jax.experimental import pallas as pl
from jax.experimental.pallas import tpu as pltpu

_GROUPS = 512
_K = 32
_RADIUS = 0.2
_B = 16
_N = 2048
_C = 256
_STILE = 32


def _fps_body(x_ref, y_ref, z_ref, oh0_ref, cent_ref):
    x = x_ref[...]
    y = y_ref[...]
    z = z_ref[...]
    lane = jax.lax.broadcasted_iota(jnp.int32, (_B, _N), 1)
    s_lane = jax.lax.broadcasted_iota(jnp.int32, (_B, _GROUPS), 1)

    def body(i, carry):
        distance, oh, cent = carry
        cx = jnp.sum(x * oh, axis=1, keepdims=True)
        cy = jnp.sum(y * oh, axis=1, keepdims=True)
        cz = jnp.sum(z * oh, axis=1, keepdims=True)
        far = jnp.sum(jnp.where(oh > 0, lane, 0), axis=1, keepdims=True)
        cent = jnp.where(s_lane == i, far, cent)
        dx = x - cx
        dy = y - cy
        dz = z - cz
        d = dx * dx + dy * dy + dz * dz
        distance = jnp.minimum(distance, d)
        m = jnp.max(distance, axis=1, keepdims=True)
        nf = jnp.min(jnp.where(distance == m, lane, _N), axis=1, keepdims=True)
        oh = (lane == nf).astype(jnp.float32)
        return distance, oh, cent

    distance0 = jnp.full((_B, _N), 1e10, dtype=jnp.float32)
    cent0 = jnp.zeros((_B, _GROUPS), dtype=jnp.int32)
    _, _, cent = jax.lax.fori_loop(0, _GROUPS, body, (distance0, oh0_ref[...], cent0))
    cent_ref[...] = cent


def _ballq_body(x_ref, y_ref, z_ref, xyz_ref, fps_ref, idx_ref, nxyz_ref):
    xs = x_ref[0]
    ys = y_ref[0]
    zs = z_ref[0]
    cfar = fps_ref[0]
    lane = jax.lax.broadcasted_iota(jnp.int32, (_GROUPS, _N), 1)
    p = (lane == cfar).astype(jnp.float32)
    cx = jnp.sum(p * xs, axis=1, keepdims=True)
    cy = jnp.sum(p * ys, axis=1, keepdims=True)
    cz = jnp.sum(p * zs, axis=1, keepdims=True)
    nxyz = jnp.concatenate([cx, cy, cz], axis=1)
    nxyz_ref[0] = nxyz

    bcx = cx.astype(jnp.bfloat16).astype(jnp.float32)
    bcy = cy.astype(jnp.bfloat16).astype(jnp.float32)
    bcz = cz.astype(jnp.bfloat16).astype(jnp.float32)
    bxs = xs.astype(jnp.bfloat16).astype(jnp.float32)
    bys = ys.astype(jnp.bfloat16).astype(jnp.float32)
    bzs = zs.astype(jnp.bfloat16).astype(jnp.float32)
    mm = bcx * bxs + bcy * bys + bcz * bzs
    cnorm = cx * cx + cy * cy + cz * cz
    nnorm = xs * xs + ys * ys + zs * zs
    d = -2.0 * mm
    d = d + cnorm
    d = d + nnorm
    mask = jnp.logical_not(d > _RADIUS * _RADIUS)

    slots = []
    t = jnp.full((_GROUPS, 1), -1, dtype=jnp.int32)
    s0 = None
    for _ in range(_K):
        cand = jnp.where(jnp.logical_and(mask, lane > t), lane, _N)
        s = jnp.min(cand, axis=1, keepdims=True)
        if s0 is None:
            s0 = s
            slots.append(s)
        else:
            slots.append(jnp.where(s == _N, s0, s))
        t = s
    idx_ref[0] = jnp.concatenate(slots, axis=1)


def _gather_body(pts_ref, xyz_ref, idxf_ref, fps_ref, out_ref):
    idxf = idxf_ref[0]
    rows = _STILE * _K
    lane = jax.lax.broadcasted_iota(jnp.int32, (rows, _N), 1)
    g = (lane == idxf).astype(jnp.float32)
    pts = pts_ref[0]
    gp = jnp.dot(g, pts, preferred_element_type=jnp.float32,
                 precision=jax.lax.Precision.HIGHEST)
    gx = jnp.dot(g, xyz_ref[0], preferred_element_type=jnp.float32,
                 precision=jax.lax.Precision.HIGHEST)
    fpsb = fps_ref[0]
    a_lane = jax.lax.broadcasted_iota(jnp.int32, (_STILE, _N), 1)
    a = (a_lane == fpsb).astype(jnp.float32)
    ap = jnp.dot(a, pts, preferred_element_type=jnp.float32,
                 precision=jax.lax.Precision.HIGHEST)
    ap_rep = jnp.broadcast_to(ap[:, None, :], (_STILE, _K, _C)).reshape(rows, _C)
    out_ref[0] = jnp.concatenate([gp, gx, ap_rep], axis=1)


def kernel(xyz, points, affine_alpha, affine_beta):
    del affine_alpha, affine_beta
    B, N, _ = xyz.shape
    S = _GROUPS

    xT = jnp.transpose(xyz, (2, 0, 1))
    x, y, z = xT[0], xT[1], xT[2]

    far0 = jax.random.randint(jax.random.key(1), (B,), 0, N, dtype=jnp.int32)
    oh0 = (jnp.arange(N, dtype=jnp.int32)[None, :] == far0[:, None]).astype(jnp.float32)

    fps_idx = pl.pallas_call(
        _fps_body,
        out_shape=jax.ShapeDtypeStruct((B, S), jnp.int32),
    )(x, y, z, oh0)

    x3 = x.reshape(B, 1, N)
    y3 = y.reshape(B, 1, N)
    z3 = z.reshape(B, 1, N)
    fps_r = fps_idx.reshape(B, S, 1)

    idx, new_xyz = pl.pallas_call(
        _ballq_body,
        grid=(B,),
        in_specs=[
            pl.BlockSpec((1, 1, N), lambda b: (b, 0, 0)),
            pl.BlockSpec((1, 1, N), lambda b: (b, 0, 0)),
            pl.BlockSpec((1, 1, N), lambda b: (b, 0, 0)),
            pl.BlockSpec((1, N, 3), lambda b: (b, 0, 0)),
            pl.BlockSpec((1, S, 1), lambda b: (b, 0, 0)),
        ],
        out_specs=[
            pl.BlockSpec((1, S, _K), lambda b: (b, 0, 0)),
            pl.BlockSpec((1, S, 3), lambda b: (b, 0, 0)),
        ],
        out_shape=[
            jax.ShapeDtypeStruct((B, S, _K), jnp.int32),
            jax.ShapeDtypeStruct((B, S, 3), jnp.float32),
        ],
    )(x3, y3, z3, xyz, fps_r)

    idx_flat = idx.reshape(B, S * _K, 1)
    n_stiles = S // _STILE
    rows = _STILE * _K

    new_points = pl.pallas_call(
        _gather_body,
        grid=(B, n_stiles),
        in_specs=[
            pl.BlockSpec((1, N, _C), lambda b, s: (b, 0, 0)),
            pl.BlockSpec((1, N, 3), lambda b, s: (b, 0, 0)),
            pl.BlockSpec((1, rows, 1), lambda b, s: (b, s, 0)),
            pl.BlockSpec((1, _STILE, 1), lambda b, s: (b, s, 0)),
        ],
        out_specs=pl.BlockSpec((1, rows, 515), lambda b, s: (b, s, 0)),
        out_shape=jax.ShapeDtypeStruct((B, S * _K, 515), jnp.float32),
    )(points, xyz, idx_flat, fps_r)

    return new_xyz, new_points.reshape(B, S, _K, 515)

# --- scband reference (transcript-rebuilt; emitter-appended) ---
"""Pipeline reference for scband-local-grouper-76622216561216 (READ-ONLY COPY).

The authoritative reference and input builder live on the scoring server;
editing this copy changes nothing except your own understanding.
"""

import jax, jax.numpy as jnp
import numpy as np

GROUPS = 512
KNEIGHBORS = 32
RADIUS = 0.2


def index_points(points, idx):
    B = points.shape[0]
    batch_idx = jnp.arange(B).reshape((B,) + (1,) * (idx.ndim - 1))
    return points[batch_idx, idx]


def square_distance(src, dst):
    B, N, _ = src.shape
    _, M, _ = dst.shape
    dist = -2 * jnp.matmul(src, jnp.transpose(dst, (0, 2, 1)))
    dist = dist + jnp.sum(src ** 2, -1).reshape(B, N, 1)
    dist = dist + jnp.sum(dst ** 2, -1).reshape(B, 1, M)
    return dist


def farthest_point_sample(xyz, npoint, key):
    B, N, _ = xyz.shape
    farthest = jax.random.randint(key, (B,), 0, N, dtype=jnp.int32)
    distance = jnp.full((B, N), 1e10, dtype=xyz.dtype)
    centroids = jnp.zeros((B, npoint), dtype=jnp.int32)
    batch_idx = jnp.arange(B)

    def body(i, carry):
        centroids, distance, farthest = carry
        centroids = centroids.at[:, i].set(farthest)
        centroid = xyz[batch_idx, farthest][:, None, :]
        dist = jnp.sum((xyz - centroid) ** 2, -1)
        distance = jnp.minimum(distance, dist)
        farthest = jnp.argmax(distance, -1).astype(jnp.int32)
        return (centroids, distance, farthest)

    centroids, _, _ = jax.lax.fori_loop(0, npoint, body, (centroids, distance, farthest))
    return centroids


def query_ball_point(radius, nsample, xyz, new_xyz):
    B, N, _ = xyz.shape
    S = new_xyz.shape[1]
    group_idx = jnp.broadcast_to(jnp.arange(N, dtype=jnp.int32)[None, None, :], (B, S, N))
    sqrdists = square_distance(new_xyz, xyz)
    group_idx = jnp.where(sqrdists > radius ** 2, N, group_idx)
    group_idx = jnp.sort(group_idx, axis=-1)[:, :, :nsample]
    group_first = jnp.repeat(group_idx[:, :, 0:1], nsample, axis=2)
    mask = group_idx == N
    group_idx = jnp.where(mask, group_first, group_idx)
    return group_idx


def setup_inputs(seed: int = 0) -> dict:
    key = jax.random.key(seed)
    k1, k2 = jax.random.split(key)
    xyz = jax.random.uniform(k1, (16, 2048, 3), dtype=jnp.float32)
    points = jax.random.normal(k2, (16, 2048, 256), dtype=jnp.float32)
    # learned affine params (channel + 3 = 259); defined in __init__ but unused in forward
    affine_alpha = jnp.ones((1, 1, 1, 259), dtype=jnp.float32)
    affine_beta = jnp.zeros((1, 1, 1, 259), dtype=jnp.float32)
    return {"xyz": xyz, "points": points, "affine_alpha": affine_alpha, "affine_beta": affine_beta}


def reference(xyz, points, affine_alpha, affine_beta):
    B, N, C = xyz.shape
    S = GROUPS
    fps_idx = farthest_point_sample(xyz, GROUPS, jax.random.key(1))
    new_xyz = index_points(xyz, fps_idx)
    new_points_anchor = index_points(points, fps_idx)
    idx = query_ball_point(RADIUS, KNEIGHBORS, xyz, new_xyz)
    grouped_xyz = index_points(xyz, idx)
    grouped_points = index_points(points, idx)
    grouped_points = jnp.concatenate([grouped_points, grouped_xyz], axis=-1)  # use_xyz=True
    anchor = jnp.repeat(new_points_anchor.reshape(B, S, 1, -1), KNEIGHBORS, axis=2)
    new_points = jnp.concatenate([grouped_points, anchor], axis=-1)
    return (new_xyz, new_points)

if __name__ == "__main__":
    import jax
    _d = setup_inputs()
    print(jax.jit(kernel)(*tuple(_d.values())))

</pallas_src>

<mosaic_0001>
module attributes {stable_mosaic.version = 14 : i64} {
  func.func @_fps_body(%arg0: memref<16x2048xf32, #tpu.memory_space<vmem>>, %arg1: memref<16x2048xf32, #tpu.memory_space<vmem>>, %arg2: memref<16x2048xf32, #tpu.memory_space<vmem>>, %arg3: memref<16x2048xf32, #tpu.memory_space<vmem>>, %arg4: memref<16x512xi32, #tpu.memory_space<vmem>>) attributes {dimension_semantics = [], scalar_prefetch = 0 : i64, scratch_operands = 0 : i64, tpu.core_type = #tpu.core_type<tc>} {
    %get3A = arith.constant 0 : index
    %get3A_0 = arith.constant 0 : index
    %get3A_1 = vector.load %arg0[%get3A, %get3A_0] : memref<16x2048xf32, #tpu.memory_space<vmem>>, vector<16x2048xf32>
    %get3A_2 = arith.constant 0 : index
    %get3A_3 = arith.constant 0 : index
    %get3A_4 = vector.load %arg1[%get3A_2, %get3A_3] : memref<16x2048xf32, #tpu.memory_space<vmem>>, vector<16x2048xf32>
    %get3A_5 = arith.constant 0 : index
    %get3A_6 = arith.constant 0 : index
    %get3A_7 = vector.load %arg2[%get3A_5, %get3A_6] : memref<16x2048xf32, #tpu.memory_space<vmem>>, vector<16x2048xf32>
    %iota3A = tpu.iota {dimensions = array<i32: 1>} : vector<16x2048xi32>
    %iota3A_8 = tpu.iota {dimensions = array<i32: 1>} : vector<16x512xi32>
    %broadcast_in_dim3A = arith.constant 1.000000e+10 : f32
    %broadcast_in_dim3A_9 = vector.broadcast %broadcast_in_dim3A : f32 to vector<16x2048xf32>
    %broadcast_in_dim3A_10 = arith.constant 0 : i32
    %broadcast_in_dim3A_11 = vector.broadcast %broadcast_in_dim3A_10 : i32 to vector<16x512xi32>
    %get3A_12 = arith.constant 0 : index
    %get3A_13 = arith.constant 0 : index
    %get3A_14 = vector.load %arg3[%get3A_12, %get3A_13] : memref<16x2048xf32, #tpu.memory_space<vmem>>, vector<16x2048xf32>
    %scan3A = arith.constant 0 : i32
    %scan3A_15 = arith.constant 512 : i32
    %scan3A_16 = arith.addi %scan3A, %scan3A_15 : i32
    %scan3A_17 = arith.constant 1 : i32
    %scan3A_18:3 = scf.for %scan3A_22 = %scan3A to %scan3A_16 step %scan3A_17 iter_args(%scan3A_23 = %broadcast_in_dim3A_9, %scan3A_24 = %get3A_14, %scan3A_25 = %broadcast_in_dim3A_11) -> (vector<16x2048xf32>, vector<16x2048xf32>, vector<16x512xi32>)  : i32 {
      %mul3A = arith.mulf %get3A_1, %scan3A_24 : vector<16x2048xf32>
      %reduce_sum3A = arith.constant dense<0.000000e+00> : vector<16xf32>
      %reduce_sum3A_26 = vector.multi_reduction <add>, %mul3A, %reduce_sum3A [1] : vector<16x2048xf32> to vector<16xf32>
      %broadcast_in_dim3A_27 = vector.shape_cast %reduce_sum3A_26 : vector<16xf32> to vector<16x1xf32>
      %mul3A_28 = arith.mulf %get3A_4, %scan3A_24 : vector<16x2048xf32>
      %reduce_sum3A_29 = arith.constant dense<0.000000e+00> : vector<16xf32>
      %reduce_sum3A_30 = vector.multi_reduction <add>, %mul3A_28, %reduce_sum3A_29 [1] : vector<16x2048xf32> to vector<16xf32>
      %broadcast_in_dim3A_31 = vector.shape_cast %reduce_sum3A_30 : vector<16xf32> to vector<16x1xf32>
      %mul3A_32 = arith.mulf %get3A_7, %scan3A_24 : vector<16x2048xf32>
      %reduce_sum3A_33 = arith.constant dense<0.000000e+00> : vector<16xf32>
      %reduce_sum3A_34 = vector.multi_reduction <add>, %mul3A_32, %reduce_sum3A_33 [1] : vector<16x2048xf32> to vector<16xf32>
      %broadcast_in_dim3A_35 = vector.shape_cast %reduce_sum3A_34 : vector<16xf32> to vector<16x1xf32>
      %gt3A = arith.constant 0.000000e+00 : f32
      %gt3A_36 = vector.broadcast %gt3A : f32 to vector<16x2048xf32>
      %gt3A_37 = arith.cmpf ogt, %scan3A_24, %gt3A_36 : vector<16x2048xf32>
      %jit3A = arith.constant 0 : i32
      %broadcast_in_dim3A_38 = vector.broadcast %jit3A : i32 to vector<16x2048xi32>
      %select_n3A = arith.select %gt3A_37, %iota3A, %broadcast_in_dim3A_38 : vector<16x2048xi1>, vector<16x2048xi32>
      %reduce_sum3A_39 = arith.constant dense<0> : vector<16xi32>
      %reduce_sum3A_40 = vector.multi_reduction <add>, %select_n3A, %reduce_sum3A_39 [1] : vector<16x2048xi32> to vector<16xi32>
      %broadcast_in_dim3A_41 = vector.shape_cast %reduce_sum3A_40 : vector<16xi32> to vector<16x1xi32>
      %eq3A = vector.broadcast %scan3A_22 : i32 to vector<16x512xi32>
      %eq3A_42 = arith.cmpi eq, %iota3A_8, %eq3A : vector<16x512xi32>
      %broadcast_in_dim3A_43 = vector.shape_cast %broadcast_in_dim3A_41 : vector<16x1xi32> to vector<16x1xi32>
      %broadcast_in_dim3A_44 = vector.broadcast %broadcast_in_dim3A_43 : vector<16x1xi32> to vector<16x512xi32>
      %select_n3A_45 = arith.select %eq3A_42, %broadcast_in_dim3A_44, %scan3A_25 : vector<16x512xi1>, vector<16x512xi32>
      %sub3A = vector.broadcast %broadcast_in_dim3A_27 : vector<16x1xf32> to vector<16x2048xf32>
      %sub3A_46 = arith.subf %get3A_1, %sub3A : vector<16x2048xf32>
      %sub3A_47 = vector.broadcast %broadcast_in_dim3A_31 : vector<16x1xf32> to vector<16x2048xf32>
      %sub3A_48 = arith.subf %get3A_4, %sub3A_47 : vector<16x2048xf32>
      %sub3A_49 = vector.broadcast %broadcast_in_dim3A_35 : vector<16x1xf32> to vector<16x2048xf32>
      %sub3A_50 = arith.subf %get3A_7, %sub3A_49 : vector<16x2048xf32>
      %mul3A_51 = arith.mulf %sub3A_46, %sub3A_46 : vector<16x2048xf32>
      %mul3A_52 = arith.mulf %sub3A_48, %sub3A_48 : vector<16x2048xf32>
      %add3A = arith.addf %mul3A_51, %mul3A_52 : vector<16x2048xf32>
      %mul3A_53 = arith.mulf %sub3A_50, %sub3A_50 : vector<16x2048xf32>
      %add3A_54 = arith.addf %add3A, %mul3A_53 : vector<16x2048xf32>
      %min3A = arith.minimumf %scan3A_23, %add3A_54 : vector<16x2048xf32>
      %reduce_max3A = arith.constant dense<0xFF800000> : vector<16xf32>
      %reduce_max3A_55 = vector.multi_reduction <maximumf>, %min3A, %reduce_max3A [1] : vector<16x2048xf32> to vector<16xf32>
      %broadcast_in_dim3A_56 = vector.shape_cast %reduce_max3A_55 : vector<16xf32> to vector<16x1xf32>
      %eq3A_57 = vector.broadcast %broadcast_in_dim3A_56 : vector<16x1xf32> to vector<16x2048xf32>
      %eq3A_58 = arith.cmpf oeq, %min3A, %eq3A_57 : vector<16x2048xf32>
      %jit3A_59 = arith.constant 2048 : i32
      %broadcast_in_dim3A_60 = vector.broadcast %jit3A_59 : i32 to vector<16x2048xi32>
      %select_n3A_61 = arith.select %eq3A_58, %iota3A, %broadcast_in_dim3A_60 : vector<16x2048xi1>, vector<16x2048xi32>
      %reduce_min3A = arith.constant dense<2147483647> : vector<16xi32>
      %reduce_min3A_62 = vector.multi_reduction <minsi>, %select_n3A_61, %reduce_min3A [1] : vector<16x2048xi32> to vector<16xi32>
      %broadcast_in_dim3A_63 = vector.shape_cast %reduce_min3A_62 : vector<16xi32> to vector<16x1xi32>
      %eq3A_64 = vector.broadcast %broadcast_in_dim3A_63 : vector<16x1xi32> to vector<16x2048xi32>
      %eq3A_65 = arith.cmpi eq, %iota3A, %eq3A_64 : vector<16x2048xi32>
      %convert_element_type3A = arith.extui %eq3A_65 : vector<16x2048xi1> to vector<16x2048xi32>
      %convert_element_type3A_66 = arith.sitofp %convert_element_type3A : vector<16x2048xi32> to vector<16x2048xf32>
      scf.yield %min3A, %convert_element_type3A_66, %select_n3A_45 : vector<16x2048xf32>, vector<16x2048xf32>, vector<16x512xi32>
    }
    %scan3A_19 = arith.constant 512 : i32
    %swap3A = arith.constant 0 : index
    %swap3A_20 = arith.constant 0 : index
    %swap3A_21 = vector.load %arg4[%swap3A, %swap3A_20] : memref<16x512xi32, #tpu.memory_space<vmem>>, vector<16x512xi32>
    tpu.vector_store %arg4[%swap3A, %swap3A_20], %scan3A_18#2 {strides = array<i32>} : memref<16x512xi32, #tpu.memory_space<vmem>>, vector<16x512xi32>,
    return
  }
}

module attributes {stable_mosaic.version = 14 : i64} {
  func.func @_ballq_body(%arg0: i32, %arg1: memref<1x1x2048xf32, #tpu.memory_space<vmem>>, %arg2: memref<1x1x2048xf32, #tpu.memory_space<vmem>>, %arg3: memref<1x1x2048xf32, #tpu.memory_space<vmem>>, %arg4: memref<1x2048x3xf32, #tpu.memory_space<vmem>>, %arg5: memref<1x512x1xi32, #tpu.memory_space<vmem>>, %arg6: memref<1x512x32xi32, #tpu.memory_space<vmem>>, %arg7: memref<1x512x3xf32, #tpu.memory_space<vmem>>) attributes {dimension_semantics = [#tpu.dimension_semantics<arbitrary>], iteration_bounds = array<i64: 16>, scalar_prefetch = 0 : i64, scratch_operands = 0 : i64, tpu.core_type = #tpu.core_type<tc>, window_params = [{transform_indices = @transform_0, window_bounds = array<i64: 1, 1, 2048>}, {transform_indices = @transform_1, window_bounds = array<i64: 1, 1, 2048>}, {transform_indices = @transform_2, window_bounds = array<i64: 1, 1, 2048>}, {transform_indices = @transform_3, window_bounds = array<i64: 1, 2048, 3>}, {transform_indices = @transform_4, window_bounds = array<i64: 1, 512, 1>}, {transform_indices = @transform_5, window_bounds = array<i64: 1, 512, 32>}, {transform_indices = @transform_6, window_bounds = array<i64: 1, 512, 3>}]} {
    %get3A = arith.constant 0 : index
    %get3A_0 = arith.constant 0 : index
    %get3A_1 = arith.constant 0 : index
    %get3A_2 = vector.load %arg1[%get3A, %get3A_0, %get3A_1] : memref<1x1x2048xf32, #tpu.memory_space<vmem>>, vector<1x1x2048xf32>
    %get3A_3 = vector.shape_cast %get3A_2 : vector<1x1x2048xf32> to vector<1x2048xf32>
    %get3A_4 = arith.constant 0 : index
    %get3A_5 = arith.constant 0 : index
    %get3A_6 = arith.constant 0 : index
    %get3A_7 = vector.load %arg2[%get3A_4, %get3A_5, %get3A_6] : memref<1x1x2048xf32, #tpu.memory_space<vmem>>, vector<1x1x2048xf32>
    %get3A_8 = vector.shape_cast %get3A_7 : vector<1x1x2048xf32> to vector<1x2048xf32>
    %get3A_9 = arith.constant 0 : index
    %get3A_10 = arith.constant 0 : index
    %get3A_11 = arith.constant 0 : index
    %get3A_12 = vector.load %arg3[%get3A_9, %get3A_10, %get3A_11] : memref<1x1x2048xf32, #tpu.memory_space<vmem>>, vector<1x1x2048xf32>
    %get3A_13 = vector.shape_cast %get3A_12 : vector<1x1x2048xf32> to vector<1x2048xf32>
    %get3A_14 = arith.constant 0 : index
    %get3A_15 = arith.constant 0 : index
    %get3A_16 = arith.constant 0 : index
    %get3A_17 = vector.load %arg5[%get3A_14, %get3A_15, %get3A_16] : memref<1x512x1xi32, #tpu.memory_space<vmem>>, vector<1x512x1xi32>
    %get3A_18 = vector.shape_cast %get3A_17 : vector<1x512x1xi32> to vector<512x1xi32>
    %iota3A = tpu.iota {dimensions = array<i32: 1>} : vector<512x2048xi32>
    %eq3A = vector.broadcast %get3A_18 : vector<512x1xi32> to vector<512x2048xi32>
    %eq3A_19 = arith.cmpi eq, %iota3A, %eq3A : vector<512x2048xi32>
    %convert_element_type3A = arith.extui %eq3A_19 : vector<512x2048xi1> to vector<512x2048xi32>
    %convert_element_type3A_20 = arith.sitofp %convert_element_type3A : vector<512x2048xi32> to vector<512x2048xf32>
    %mul3A = vector.broadcast %get3A_3 : vector<1x2048xf32> to vector<512x2048xf32>
    %mul3A_21 = arith.mulf %convert_element_type3A_20, %mul3A : vector<512x2048xf32>
    %reduce_sum3A = arith.constant dense<0.000000e+00> : vector<512xf32>
    %reduce_sum3A_22 = vector.multi_reduction <add>, %mul3A_21, %reduce_sum3A [1] : vector<512x2048xf32> to vector<512xf32>
    %broadcast_in_dim3A = vector.shape_cast %reduce_sum3A_22 : vector<512xf32> to vector<512x1xf32>
    %mul3A_23 = vector.broadcast %get3A_8 : vector<1x2048xf32> to vector<512x2048xf32>
    %mul3A_24 = arith.mulf %convert_element_type3A_20, %mul3A_23 : vector<512x2048xf32>
    %reduce_sum3A_25 = arith.constant dense<0.000000e+00> : vector<512xf32>
    %reduce_sum3A_26 = vector.multi_reduction <add>, %mul3A_24, %reduce_sum3A_25 [1] : vector<512x2048xf32> to vector<512xf32>
    %broadcast_in_dim3A_27 = vector.shape_cast %reduce_sum3A_26 : vector<512xf32> to vector<512x1xf32>
    %mul3A_28 = vector.broadcast %get3A_13 : vector<1x2048xf32> to vector<512x2048xf32>
    %mul3A_29 = arith.mulf %convert_element_type3A_20, %mul3A_28 : vector<512x2048xf32>
    %reduce_sum3A_30 = arith.constant dense<0.000000e+00> : vector<512xf32>
    %reduce_sum3A_31 = vector.multi_reduction <add>, %mul3A_29, %reduce_sum3A_30 [1] : vector<512x2048xf32> to vector<512xf32>
    %broadcast_in_dim3A_32 = vector.shape_cast %reduce_sum3A_31 : vector<512xf32> to vector<512x1xf32>
    %concatenate3A = tpu.concatenate %broadcast_in_dim3A, %broadcast_in_dim3A_27, %broadcast_in_dim3A_32 in 1 : vector<512x1xf32>, vector<512x1xf32>, vector<512x1xf32> -> vector<512x3xf32>
    %swap3A = arith.constant 0 : index
    %swap3A_33 = arith.constant 0 : index
    %swap3A_34 = arith.constant 0 : index
    %swap3A_35 = vector.load %arg7[%swap3A, %swap3A_33, %swap3A_34] : memref<1x512x3xf32, #tpu.memory_space<vmem>>, vector<1x512x3xf32>
    %swap3A_36 = vector.shape_cast %swap3A_35 : vector<1x512x3xf32> to vector<512x3xf32>
    %swap3A_37 = vector.shape_cast %concatenate3A : vector<512x3xf32> to vector<1x512x3xf32>
    tpu.vector_store %arg7[%swap3A, %swap3A_33, %swap3A_34], %swap3A_37 {strides = array<i32>} : memref<1x512x3xf32, #tpu.memory_space<vmem>>, vector<1x512x3xf32>,
    %convert_element_type3A_38 = arith.truncf %broadcast_in_dim3A : vector<512x1xf32> to vector<512x1xbf16>
    %convert_element_type3A_39 = arith.extf %convert_element_type3A_38 : vector<512x1xbf16> to vector<512x1xf32>
    %convert_element_type3A_40 = arith.truncf %broadcast_in_dim3A_27 : vector<512x1xf32> to vector<512x1xbf16>
    %convert_element_type3A_41 = arith.extf %convert_element_type3A_40 : vector<512x1xbf16> to vector<512x1xf32>
    %convert_element_type3A_42 = arith.truncf %broadcast_in_dim3A_32 : vector<512x1xf32> to vector<512x1xbf16>
    %convert_element_type3A_43 = arith.extf %convert_element_type3A_42 : vector<512x1xbf16> to vector<512x1xf32>
    %convert_element_type3A_44 = arith.truncf %get3A_3 : vector<1x2048xf32> to vector<1x2048xbf16>
    %convert_element_type3A_45 = arith.extf %convert_element_type3A_44 : vector<1x2048xbf16> to vector<1x2048xf32>
    %convert_element_type3A_46 = arith.truncf %get3A_8 : vector<1x2048xf32> to vector<1x2048xbf16>
    %convert_element_type3A_47 = arith.extf %convert_element_type3A_46 : vector<1x2048xbf16> to vector<1x2048xf32>
    %convert_element_type3A_48 = arith.truncf %get3A_13 : vector<1x2048xf32> to vector<1x2048xbf16>
    %convert_element_type3A_49 = arith.extf %convert_element_type3A_48 : vector<1x2048xbf16> to vector<1x2048xf32>
    %mul3A_50 = vector.broadcast %convert_element_type3A_39 : vector<512x1xf32> to vector<512x2048xf32>
    %mul3A_51 = vector.broadcast %convert_element_type3A_45 : vector<1x2048xf32> to vector<512x2048xf32>
    %mul3A_52 = arith.mulf %mul3A_50, %mul3A_51 : vector<512x2048xf32>
    %mul3A_53 = vector.broadcast %convert_element_type3A_41 : vector<512x1xf32> to vector<512x2048xf32>
    %mul3A_54 = vector.broadcast %convert_element_type3A_47 : vector<1x2048xf32> to vector<512x2048xf32>
    %mul3A_55 = arith.mulf %mul3A_53, %mul3A_54 : vector<512x2048xf32>
    %add3A = arith.addf %mul3A_52, %mul3A_55 : vector<512x2048xf32>
    %mul3A_56 = vector.broadcast %convert_element_type3A_43 : vector<512x1xf32> to vector<512x2048xf32>
    %mul3A_57 = vector.broadcast %convert_element_type3A_49 : vector<1x2048xf32> to vector<512x2048xf32>
    %mul3A_58 = arith.mulf %mul3A_56, %mul3A_57 : vector<512x2048xf32>
    %add3A_59 = arith.addf %add3A, %mul3A_58 : vector<512x2048xf32>
    %mul3A_60 = arith.mulf %broadcast_in_dim3A, %broadcast_in_dim3A : vector<512x1xf32>
    %mul3A_61 = arith.mulf %broadcast_in_dim3A_27, %broadcast_in_dim3A_27 : vector<512x1xf32>
    %add3A_62 = arith.addf %mul3A_60, %mul3A_61 : vector<512x1xf32>
    %mul3A_63 = arith.mulf %broadcast_in_dim3A_32, %broadcast_in_dim3A_32 : vector<512x1xf32>
    %add3A_64 = arith.addf %add3A_62, %mul3A_63 : vector<512x1xf32>
    %mul3A_65 = arith.mulf %get3A_3, %get3A_3 : vector<1x2048xf32>
    %mul3A_66 = arith.mulf %get3A_8, %get3A_8 : vector<1x2048xf32>
    %add3A_67 = arith.addf %mul3A_65, %mul3A_66 : vector<1x2048xf32>
    %mul3A_68 = arith.mulf %get3A_13, %get3A_13 : vector<1x2048xf32>
    %add3A_69 = arith.addf %add3A_67, %mul3A_68 : vector<1x2048xf32>
    %mul3A_70 = arith.constant -2.000000e+00 : f32
    %mul3A_71 = vector.broadcast %mul3A_70 : f32 to vector<512x2048xf32>
    %mul3A_72 = arith.mulf %mul3A_71, %add3A_59 : vector<512x2048xf32>
    %add3A_73 = vector.broadcast %add3A_64 : vector<512x1xf32> to vector<512x2048xf32>
    %add3A_74 = arith.addf %mul3A_72, %add3A_73 : vector<512x2048xf32>
    %add3A_75 = vector.broadcast %add3A_69 : vector<1x2048xf32> to vector<512x2048xf32>
    %add3A_76 = arith.addf %add3A_74, %add3A_75 : vector<512x2048xf32>
    %gt3A = arith.constant 4.000000e-02 : f32
    %gt3A_77 = vector.broadcast %gt3A : f32 to vector<512x2048xf32>
    %gt3A_78 = arith.cmpf ogt, %add3A_76, %gt3A_77 : vector<512x2048xf32>
    %not3A = arith.constant dense<true> : vector<512x2048xi1>
    %not3A_79 = arith.xori %gt3A_78, %not3A : vector<512x2048xi1>
    %broadcast_in_dim3A_80 = arith.constant -1 : i32
    %broadcast_in_dim3A_81 = vector.broadcast %broadcast_in_dim3A_80 : i32 to vector<512x1xi32>
    %gt3A_82 = vector.broadcast %broadcast_in_dim3A_81 : vector<512x1xi32> to vector<512x2048xi32>
    %gt3A_83 = arith.cmpi sgt, %iota3A, %gt3A_82 : vector<512x2048xi32>
    %and3A = arith.andi %not3A_79, %gt3A_83 : vector<512x2048xi1>
    %jit3A = arith.constant 2048 : i32
    %broadcast_in_dim3A_84 = vector.broadcast %jit3A : i32 to vector<512x2048xi32>
    %select_n3A = arith.select %and3A, %iota3A, %broadcast_in_dim3A_84 : vector<512x2048xi1>, vector<512x2048xi32>
    %reduce_min3A = arith.constant dense<2147483647> : vector<512xi32>
    %reduce_min3A_85 = vector.multi_reduction <minsi>, %select_n3A, %reduce_min3A [1] : vector<512x2048xi32> to vector<512xi32>
    %broadcast_in_dim3A_86 = vector.shape_cast %reduce_min3A_85 : vector<512xi32> to vector<512x1xi32>
    %gt3A_87 = vector.broadcast %broadcast_in_dim3A_86 : vector<512x1xi32> to vector<512x2048xi32>
    %gt3A_88 = arith.cmpi sgt, %iota3A, %gt3A_87 : vector<512x2048xi32>
    %and3A_89 = arith.andi %not3A_79, %gt3A_88 : vector<512x2048xi1>
    %jit3A_90 = arith.constant 2048 : i32
    %broadcast_in_dim3A_91 = vector.broadcast %jit3A_90 : i32 to vector<512x2048xi32>
    %select_n3A_92 = arith.select %and3A_89, %iota3A, %broadcast_in_dim3A_91 : vector<512x2048xi1>, vector<512x2048xi32>
    %reduce_min3A_93 = arith.constant dense<2147483647> : vector<512xi32>
    %reduce_min3A_94 = vector.multi_reduction <minsi>, %select_n3A_92, %reduce_min3A_93 [1] : vector<512x2048xi32> to vector<512xi32>
    %broadcast_in_dim3A_95 = vector.shape_cast %reduce_min3A_94 : vector<512xi32> to vector<512x1xi32>
    %eq3A_96 = arith.constant 2048 : i32
    %eq3A_97 = vector.broadcast %eq3A_96 : i32 to vector<512x1xi32>
    %eq3A_98 = arith.cmpi eq, %broadcast_in_dim3A_95, %eq3A_97 : vector<512x1xi32>
    %select_n3A_99 = arith.select %eq3A_98, %broadcast_in_dim3A_86, %broadcast_in_dim3A_95 : vector<512x1xi1>, vector<512x1xi32>
    %gt3A_100 = vector.broadcast %broadcast_in_dim3A_95 : vector<512x1xi32> to vector<512x2048xi32>
    %gt3A_101 = arith.cmpi sgt, %iota3A, %gt3A_100 : vector<512x2048xi32>
    %and3A_102 = arith.andi %not3A_79, %gt3A_101 : vector<512x2048xi1>
    %jit3A_103 = arith.constant 2048 : i32
    %broadcast_in_dim3A_104 = vector.broadcast %jit3A_103 : i32 to vector<512x2048xi32>
    %select_n3A_105 = arith.select %and3A_102, %iota3A, %broadcast_in_dim3A_104 : vector<512x2048xi1>, vector<512x2048xi32>
    %reduce_min3A_106 = arith.constant dense<2147483647> : vector<512xi32>
    %reduce_min3A_107 = vector.multi_reduction <minsi>, %select_n3A_105, %reduce_min3A_106 [1] : vector<512x2048xi32> to vector<512xi32>
    %broadcast_in_dim3A_108 = vector.shape_cast %reduce_min3A_107 : vector<512xi32> to vector<512x1xi32>
    %eq3A_109 = arith.constant 2048 : i32
    %eq3A_110 = vector.broadcast %eq3A_109 : i32 to vector<512x1xi32>
    %eq3A_111 = arith.cmpi eq, %broadcast_in_dim3A_108, %eq3A_110 : vector<512x1xi32>
    %select_n3A_112 = arith.select %eq3A_111, %broadcast_in_dim3A_86, %broadcast_in_dim3A_108 : vector<512x1xi1>, vector<512x1xi32>
    %gt3A_113 = vector.broadcast %broadcast_in_dim3A_108 : vector<512x1xi32> to vector<512x2048xi32>
    %gt3A_114 = arith.cmpi sgt, %iota3A, %gt3A_113 : vector<512x2048xi32>
    %and3A_115 = arith.andi %not3A_79, %gt3A_114 : vector<512x2048xi1>
    %jit3A_116 = arith.constant 2048 : i32
    %broadcast_in_dim3A_117 = vector.broadcast %jit3A_116 : i32 to vector<512x2048xi32>
    %select_n3A_118 = arith.select %and3A_115, %iota3A, %broadcast_in_dim3A_117 : vector<512x2048xi1>, vector<512x2048xi32>
    %reduce_min3A_119 = arith.constant dense<2147483647> : vector<512xi32>
    %reduce_min3A_120 = vector.multi_reduction <minsi>, %select_n3A_118, %reduce_min3A_119 [1] : vector<512x2048xi32> to vector<512xi32>
    %broadcast_in_dim3A_121 = vector.shape_cast %reduce_min3A_120 : vector<512xi32> to vector<512x1xi32>
    %eq3A_122 = arith.constant 2048 : i32
    %eq3A_123 = vector.broadcast %eq3A_122 : i32 to vector<512x1xi32>
    %eq3A_124 = arith.cmpi eq, %broadcast_in_dim3A_121, %eq3A_123 : vector<512x1xi32>
    %select_n3A_125 = arith.select %eq3A_124, %broadcast_in_dim3A_86, %broadcast_in_dim3A_121 : vector<512x1xi1>, vector<512x1xi32>
    %gt3A_126 = vector.broadcast %broadcast_in_dim3A_121 : vector<512x1xi32> to vector<512x2048xi32>
    %gt3A_127 = arith.cmpi sgt, %iota3A, %gt3A_126 : vector<512x2048xi32>
    %and3A_128 = arith.andi %not3A_79, %gt3A_127 : vector<512x2048xi1>
    %jit3A_129 = arith.constant 2048 : i32
    %broadcast_in_dim3A_130 = vector.broadcast %jit3A_129 : i32 to vector<512x2048xi32>
    %select_n3A_131 = arith.select %and3A_128, %iota3A, %broadcast_in_dim3A_130 : vector<512x2048xi1>, vector<512x2048xi32>
    %reduce_min3A_132 = arith.constant dense<2147483647> : vector<512xi32>
    %reduce_min3A_133 = vector.multi_reduction <minsi>, %select_n3A_131, %reduce_min3A_132 [1] : vector<512x2048xi32> to vector<512xi32>
    %broadcast_in_dim3A_134 = vector.shape_cast %reduce_min3A_133 : vector<512xi32> to vector<512x1xi32>
    %eq3A_135 = arith.constant 2048 : i32
    %eq3A_136 = vector.broadcast %eq3A_135 : i32 to vector<512x1xi32>
    %eq3A_137 = arith.cmpi eq, %broadcast_in_dim3A_134, %eq3A_136 : vector<512x1xi32>
    %select_n3A_138 = arith.select %eq3A_137, %broadcast_in_dim3A_86, %broadcast_in_dim3A_134 : vector<512x1xi1>, vector<512x1xi32>
    %gt3A_139 = vector.broadcast %broadcast_in_dim3A_134 : vector<512x1xi32> to vector<512x2048xi32>
    %gt3A_140 = arith.cmpi sgt, %iota3A, %gt3A_139 : vector<512x2048xi32>
    %and3A_141 = arith.andi %not3A_79, %gt3A_140 : vector<512x2048xi1>
    %jit3A_142 = arith.constant 2048 : i32
    %broadcast_in_dim3A_143 = vector.broadcast %jit3A_142 : i32 to vector<512x2048xi32>
    %select_n3A_144 = arith.select %and3A_141, %iota3A, %broadcast_in_dim3A_143 : vector<512x2048xi1>, vector<512x2048xi32>
    %reduce_min3A_145 = arith.constant dense<2147483647> : vector<512xi32>
    %reduce_min3A_146 = vector.multi_reduction <minsi>, %select_n3A_144, %reduce_min3A_145 [1] : vector<512x2048xi32> to vector<512xi32>
    %broadcast_in_dim3A_147 = vector.shape_cast %reduce_min3A_146 : vector<512xi32> to vector<512x1xi32>
    %eq3A_148 = arith.constant 2048 : i32
    %eq3A_149 = vector.broadcast %eq3A_148 : i32 to vector<512x1xi32>
    %eq3A_150 = arith.cmpi eq, %broadcast_in_dim3A_147, %eq3A_149 : vector<512x1xi32>
    %select_n3A_151 = arith.select %eq3A_150, %broadcast_in_dim3A_86, %broadcast_in_dim3A_147 : vector<512x1xi1>, vector<512x1xi32>
    %gt3A_152 = vector.broadcast %broadcast_in_dim3A_147 : vector<512x1xi32> to vector<512x2048xi32>
    %gt3A_153 = arith.cmpi sgt, %iota3A, %gt3A_152 : vector<512x2048xi32>
    %and3A_154 = arith.andi %not3A_79, %gt3A_153 : vector<512x2048xi1>
    %jit3A_155 = arith.constant 2048 : i32
    %broadcast_in_dim3A_156 = vector.broadcast %jit3A_155 : i32 to vector<512x2048xi32>
    %select_n3A_157 = arith.select %and3A_154, %iota3A, %broadcast_in_dim3A_156 : vector<512x2048xi1>, vector<512x2048xi32>
    %reduce_min3A_158 = arith.constant dense<2147483647> : vector<512xi32>
    %reduce_min3A_159 = vector.multi_reduction <minsi>, %select_n3A_157, %reduce_min3A_158 [1] : vector<512x2048xi32> to vector<512xi32>
    %broadcast_in_dim3A_160 = vector.shape_cast %reduce_min3A_159 : vector<512xi32> to vector<512x1xi32>
    %eq3A_161 = arith.constant 2048 : i32
    %eq3A_162 = vector.broadcast %eq3A_161 : i32 to vector<512x1xi32>
    %eq3A_163 = arith.cmpi eq, %broadcast_in_dim3A_160, %eq3A_162 : vector<512x1xi32>
    %select_n3A_164 = arith.select %eq3A_163, %broadcast_in_dim3A_86, %broadcast_in_dim3A_160 : vector<512x1xi1>, vector<512x1xi32>
    %gt3A_165 = vector.broadcast %broadcast_in_dim3A_160 : vector<512x1xi32> to vector<512x2048xi32>
    %gt3A_166 = arith.cmpi sgt, %iota3A, %gt3A_165 : vector<512x2048xi32>
    %and3A_167 = arith.andi %not3A_79, %gt3A_166 : vector<512x2048xi1>
    %jit3A_168 = arith.constant 2048 : i32
    %broadcast_in_dim3A_169 = vector.broadcast %jit3A_168 : i32 to vector<512x2048xi32>
    %select_n3A_170 = arith.select %and3A_167, %iota3A, %broadcast_in_dim3A_169 : vector<512x2048xi1>, vector<512x2048xi32>
    %reduce_min3A_171 = arith.constant dense<2147483647> : vector<512xi32>
    %reduce_min3A_172 = vector.multi_reduction <minsi>, %select_n3A_170, %reduce_min3A_171 [1] : vector<512x2048xi32> to vector<512xi32>
    %broadcast_in_dim3A_173 = vector.shape_cast %reduce_min3A_172 : vector<512xi32> to vector<512x1xi32>
    %eq3A_174 = arith.constant 2048 : i32
    %eq3A_175 = vector.broadcast %eq3A_174 : i32 to vector<512x1xi32>
    %eq3A_176 = arith.cmpi eq, %broadcast_in_dim3A_173, %eq3A_175 : vector<512x1xi32>
    %select_n3A_177 = arith.select %eq3A_176, %broadcast_in_dim3A_86, %broadcast_in_dim3A_173 : vector<512x1xi1>, vector<512x1xi32>
    %gt3A_178 = vector.broadcast %broadcast_in_dim3A_173 : vector<512x1xi32> to vector<512x2048xi32>
    %gt3A_179 = arith.cmpi sgt, %iota3A, %gt3A_178 : vector<512x2048xi32>
    %and3A_180 = arith.andi %not3A_79, %gt3A_179 : vector<512x2048xi1>
    %jit3A_181 = arith.constant 2048 : i32
    %broadcast_in_dim3A_182 = vector.broadcast %jit3A_181 : i32 to vector<512x2048xi32>
    %select_n3A_183 = arith.select %and3A_180, %iota3A, %broadcast_in_dim3A_182 : vector<512x2048xi1>, vector<512x2048xi32>
    %reduce_min3A_184 = arith.constant dense<2147483647> : vector<512xi32>
    %reduce_min3A_185 = vector.multi_reduction <minsi>, %select_n3A_183, %reduce_min3A_184 [1] : vector<512x2048xi32> to vector<512xi32>
    %broadcast_in_dim3A_186 = vector.shape_cast %reduce_min3A_185 : vector<512xi32> to vector<512x1xi32>
    %eq3A_187 = arith.constant 2048 : i32
    %eq3A_188 = vector.broadcast %eq3A_187 : i32 to vector<512x1xi32>
    %eq3A_189 = arith.cmpi eq, %broadcast_in_dim3A_186, %eq3A_188 : vector<512x1xi32>
    %select_n3A_190 = arith.select %eq3A_189, %broadcast_in_dim3A_86, %broadcast_in_dim3A_186 : vector<512x1xi1>, vector<512x1xi32>
    %gt3A_191 = vector.broadcast %broadcast_in_dim3A_186 : vector<512x1xi32> to vector<512x2048xi32>
    %gt3A_192 = arith.cmpi sgt, %iota3A, %gt3A_191 : vector<512x2048xi32>
    %and3A_193 = arith.andi %not3A_79, %gt3A_192 : vector<512x2048xi1>
    %jit3A_194 = arith.constant 2048 : i32
    %broadcast_in_dim3A_195 = vector.broadcast %jit3A_194 : i32 to vector<512x2048xi32>
    %select_n3A_196 = arith.select %and3A_193, %iota3A, %broadcast_in_dim3A_195 : vector<512x2048xi1>, vector<512x2048xi32>
    %reduce_min3A_197 = arith.constant dense<2147483647> : vector<512xi32>
    %reduce_min3A_198 = vector.multi_reduction <minsi>, %select_n3A_196, %reduce_min3A_197 [1] : vector<512x2048xi32> to vector<512xi32>
    %broadcast_in_dim3A_199 = vector.shape_cast %reduce_min3A_198 : vector<512xi32> to vector<512x1xi32>
    %eq3A_200 = arith.constant 2048 : i32
    %eq3A_201 = vector.broadcast %eq3A_200 : i32 to vector<512x1xi32>
    %eq3A_202 = arith.cmpi eq, %broadcast_in_dim3A_199, %eq3A_201 : vector<512x1xi32>
    %select_n3A_203 = arith.select %eq3A_202, %broadcast_in_dim3A_86, %broadcast_in_dim3A_199 : vector<512x1xi1>, vector<512x1xi32>
    %gt3A_204 = vector.broadcast %broadcast_in_dim3A_199 : vector<512x1xi32> to vector<512x2048xi32>
    %gt3A_205 = arith.cmpi sgt, %iota3A, %gt3A_204 : vector<512x2048xi32>
    %and3A_206 = arith.andi %not3A_79, %gt3A_205 : vector<512x2048xi1>
    %jit3A_207 = arith.constant 2048 : i32
    %broadcast_in_dim3A_208 = vector.broadcast %jit3A_207 : i32 to vector<512x2048xi32>
    %select_n3A_209 = arith.select %and3A_206, %iota3A, %broadcast_in_dim3A_208 : vector<512x2048xi1>, vector<512x2048xi32>
    %reduce_min3A_210 = arith.constant dense<2147483647> : vector<512xi32>
    %reduce_min3A_211 = vector.multi_reduction <minsi>, %select_n3A_209, %reduce_min3A_210 [1] : vector<512x2048xi32> to vector<512xi32>
    %broadcast_in_dim3A_212 = vector.shape_cast %reduce_min3A_211 : vector<512xi32> to vector<512x1xi32>
    %eq3A_213 = arith.constant 2048 : i32
    %eq3A_214 = vector.broadcast %eq3A_213 : i32 to vector<512x1xi32>
    %eq3A_215 = arith.cmpi eq, %broadcast_in_dim3A_212, %eq3A_214 : vector<512x1xi32>
    %select_n3A_216 = arith.select %eq3A_215, %broadcast_in_dim3A_86, %broadcast_in_dim3A_212 : vector<512x1xi1>, vector<512x1xi32>
    %gt3A_217 = vector.broadcast %broadcast_in_dim3A_212 : vector<512x1xi32> to vector<512x2048xi32>
    %gt3A_218 = arith.cmpi sgt, %iota3A, %gt3A_217 : vector<512x2048xi32>
    %and3A_219 = arith.andi %not3A_79, %gt3A_218 : vector<512x2048xi1>
    %jit3A_220 = arith.constant 2048 : i32
    %broadcast_in_dim3A_221 = vector.broadcast %jit3A_220 : i32 to vector<512x2048xi32>
    %select_n3A_222 = arith.select %and3A_219, %iota3A, %broadcast_in_dim3A_221 : vector<512x2048xi1>, vector<512x2048xi32>
    %reduce_min3A_223 = arith.constant dense<2147483647> : vector<512xi32>
    %reduce_min3A_224 = vector.multi_reduction <minsi>, %select_n3A_222, %reduce_min3A_223 [1] : vector<512x2048xi32> to vector<512xi32>
    %broadcast_in_dim3A_225 = vector.shape_cast %reduce_min3A_224 : vector<512xi32> to vector<512x1xi32>
    %eq3A_226 = arith.constant 2048 : i32
    %eq3A_227 = vector.broadcast %eq3A_226 : i32 to vector<512x1xi32>
    %eq3A_228 = arith.cmpi eq, %broadcast_in_dim3A_225, %eq3A_227 : vector<512x1xi32>
    %select_n3A_229 = arith.select %eq3A_228, %broadcast_in_dim3A_86, %broadcast_in_dim3A_225 : vector<512x1xi1>, vector<512x1xi32>
    %gt3A_230 = vector.broadcast %broadcast_in_dim3A_225 : vector<512x1xi32> to vector<512x2048xi32>
    %gt3A_231 = arith.cmpi sgt, %iota3A, %gt3A_230 : vector<512x2048xi32>
    %and3A_232 = arith.andi %not3A_79, %gt3A_231 : vector<512x2048xi1>
    %jit3A_233 = arith.constant 2048 : i32
    %broadcast_in_dim3A_234 = vector.broadcast %jit3A_233 : i32 to vector<512x2048xi32>
    %select_n3A_235 = arith.select %and3A_232, %iota3A, %broadcast_in_dim3A_234 : vector<512x2048xi1>, vector<512x2048xi32>
    %reduce_min3A_236 = arith.constant dense<2147483647> : vector<512xi32>
    %reduce_min3A_237 = vector.multi_reduction <minsi>, %select_n3A_235, %reduce_min3A_236 [1] : vector<512x2048xi32> to vector<512xi32>
    %broadcast_in_dim3A_238 = vector.shape_cast %reduce_min3A_237 : vector<512xi32> to vector<512x1xi32>
    %eq3A_239 = arith.constant 2048 : i32
    %eq3A_240 = vector.broadcast %eq3A_239 : i32 to vector<512x1xi32>
    %eq3A_241 = arith.cmpi eq, %broadcast_in_dim3A_238, %eq3A_240 : vector<512x1xi32>
    %select_n3A_242 = arith.select %eq3A_241, %broadcast_in_dim3A_86, %broadcast_in_dim3A_238 : vector<512x1xi1>, vector<512x1xi32>
    %gt3A_243 = vector.broadcast %broadcast_in_dim3A_238 : vector<512x1xi32> to vector<512x2048xi32>
    %gt3A_244 = arith.cmpi sgt, %iota3A, %gt3A_243 : vector<512x2048xi32>
    %and3A_245 = arith.andi %not3A_79, %gt3A_244 : vector<512x2048xi1>
    %jit3A_246 = arith.constant 2048 : i32
    %broadcast_in_dim3A_247 = vector.broadcast %jit3A_246 : i32 to vector<512x2048xi32>
    %select_n3A_248 = arith.select %and3A_245, %iota3A, %broadcast_in_dim3A_247 : vector<512x2048xi1>, vector<512x2048xi32>
    %reduce_min3A_249 = arith.constant dense<2147483647> : vector<512xi32>
    %reduce_min3A_250 = vector.multi_reduction <minsi>, %select_n3A_248, %reduce_min3A_249 [1] : vector<512x2048xi32> to vector<512xi32>
    %broadcast_in_dim3A_251 = vector.shape_cast %reduce_min3A_250 : vector<512xi32> to vector<512x1xi32>
    %eq3A_252 = arith.constant 2048 : i32
    %eq3A_253 = vector.broadcast %eq3A_252 : i32 to vector<512x1xi32>
    %eq3A_254 = arith.cmpi eq, %broadcast_in_dim3A_251, %eq3A_253 : vector<512x1xi32>
    %select_n3A_255 = arith.select %eq3A_254, %broadcast_in_dim3A_86, %broadcast_in_dim3A_251 : vector<512x1xi1>, vector<512x1xi32>
    %gt3A_256 = vector.broadcast %broadcast_in_dim3A_251 : vector<512x1xi32> to vector<512x2048xi32>
    %gt3A_257 = arith.cmpi sgt, %iota3A, %gt3A_256 : vector<512x2048xi32>
    %and3A_258 = arith.andi %not3A_79, %gt3A_257 : vector<512x2048xi1>
    %jit3A_259 = arith.constant 2048 : i32
    %broadcast_in_dim3A_260 = vector.broadcast %jit3A_259 : i32 to vector<512x2048xi32>
    %select_n3A_261 = arith.select %and3A_258, %iota3A, %broadcast_in_dim3A_260 : vector<512x2048xi1>, vector<512x2048xi32>
    %reduce_min3A_262 = arith.constant dense<2147483647> : vector<512xi32>
    %reduce_min3A_263 = vector.multi_reduction <minsi>, %select_n3A_261, %reduce_min3A_262 [1] : vector<512x2048xi32> to vector<512xi32>
    %broadcast_in_dim3A_264 = vector.shape_cast %reduce_min3A_263 : vector<512xi32> to vector<512x1xi32>
    %eq3A_265 = arith.constant 2048 : i32
    %eq3A_266 = vector.broadcast %eq3A_265 : i32 to vector<512x1xi32>
    %eq3A_267 = arith.cmpi eq, %broadcast_in_dim3A_264, %eq3A_266 : vector<512x1xi32>
    %select_n3A_268 = arith.select %eq3A_267, %broadcast_in_dim3A_86, %broadcast_in_dim3A_264 : vector<512x1xi1>, vector<512x1xi32>
    %gt3A_269 = vector.broadcast %broadcast_in_dim3A_264 : vector<512x1xi32> to vector<512x2048xi32>
    %gt3A_270 = arith.cmpi sgt, %iota3A, %gt3A_269 : vector<512x2048xi32>
    %and3A_271 = arith.andi %not3A_79, %gt3A_270 : vector<512x2048xi1>
    %jit3A_272 = arith.constant 2048 : i32
    %broadcast_in_dim3A_273 = vector.broadcast %jit3A_272 : i32 to vector<512x2048xi32>
    %select_n3A_274 = arith.select %and3A_271, %iota3A, %broadcast_in_dim3A_273 : vector<512x2048xi1>, vector<512x2048xi32>
    %reduce_min3A_275 = arith.constant dense<2147483647> : vector<512xi32>
    %reduce_min3A_276 = vector.multi_reduction <minsi>, %select_n3A_274, %reduce_min3A_275 [1] : vector<512x2048xi32> to vector<512xi32>
    %broadcast_in_dim3A_277 = vector.shape_cast %reduce_min3A_276 : vector<512xi32> to vector<512x1xi32>
    %eq3A_278 = arith.constant 2048 : i32
    %eq3A_279 = vector.broadcast %eq3A_278 : i32 to vector<512x1xi32>
    %eq3A_280 = arith.cmpi eq, %broadcast_in_dim3A_277, %eq3A_279 : vector<512x1xi32>
    %select_n3A_281 = arith.select %eq3A_280, %broadcast_in_dim3A_86, %broadcast_in_dim3A_277 : vector<512x1xi1>, vector<512x1xi32>
    %gt3A_282 = vector.broadcast %broadcast_in_dim3A_277 : vector<512x1xi32> to vector<512x2048xi32>
    %gt3A_283 = arith.cmpi sgt, %iota3A, %gt3A_282 : vector<512x2048xi32>
    %and3A_284 = arith.andi %not3A_79, %gt3A_283 : vector<512x2048xi1>
    %jit3A_285 = arith.constant 2048 : i32
    %broadcast_in_dim3A_286 = vector.broadcast %jit3A_285 : i32 to vector<512x2048xi32>
    %select_n3A_287 = arith.select %and3A_284, %iota3A, %broadcast_in_dim3A_286 : vector<512x2048xi1>, vector<512x2048xi32>
    %reduce_min3A_288 = arith.constant dense<2147483647> : vector<512xi32>
    %reduce_min3A_289 = vector.multi_reduction <minsi>, %select_n3A_287, %reduce_min3A_288 [1] : vector<512x2048xi32> to vector<512xi32>
    %broadcast_in_dim3A_290 = vector.shape_cast %reduce_min3A_289 : vector<512xi32> to vector<512x1xi32>
    %eq3A_291 = arith.constant 2048 : i32
    %eq3A_292 = vector.broadcast %eq3A_291 : i32 to vector<512x1xi32>
    %eq3A_293 = arith.cmpi eq, %broadcast_in_dim3A_290, %eq3A_292 : vector<512x1xi32>
    %select_n3A_294 = arith.select %eq3A_293, %broadcast_in_dim3A_86, %broadcast_in_dim3A_290 : vector<512x1xi1>, vector<512x1xi32>
    %gt3A_295 = vector.broadcast %broadcast_in_dim3A_290 : vector<512x1xi32> to vector<512x2048xi32>
    %gt3A_296 = arith.cmpi sgt, %iota3A, %gt3A_295 : vector<512x2048xi32>
    %and3A_297 = arith.andi %not3A_79, %gt3A_296 : vector<512x2048xi1>
    %jit3A_298 = arith.constant 2048 : i32
    %broadcast_in_dim3A_299 = vector.broadcast %jit3A_298 : i32 to vector<512x2048xi32>
    %select_n3A_300 = arith.select %and3A_297, %iota3A, %broadcast_in_dim3A_299 : vector<512x2048xi1>, vector<512x2048xi32>
    %reduce_min3A_301 = arith.constant dense<2147483647> : vector<512xi32>
    %reduce_min3A_302 = vector.multi_reduction <minsi>, %select_n3A_300, %reduce_min3A_301 [1] : vector<512x2048xi32> to vector<512xi32>
    %broadcast_in_dim3A_303 = vector.shape_cast %reduce_min3A_302 : vector<512xi32> to vector<512x1xi32>
    %eq3A_304 = arith.constant 2048 : i32
    %eq3A_305 = vector.broadcast %eq3A_304 : i32 to vector<512x1xi32>
    %eq3A_306 = arith.cmpi eq, %broadcast_in_dim3A_303, %eq3A_305 : vector<512x1xi32>
    %select_n3A_307 = arith.select %eq3A_306, %broadcast_in_dim3A_86, %broadcast_in_dim3A_303 : vector<512x1xi1>, vector<512x1xi32>
    %gt3A_308 = vector.broadcast %broadcast_in_dim3A_303 : vector<512x1xi32> to vector<512x2048xi32>
    %gt3A_309 = arith.cmpi sgt, %iota3A, %gt3A_308 : vector<512x2048xi32>
    %and3A_310 = arith.andi %not3A_79, %gt3A_309 : vector<512x2048xi1>
    %jit3A_311 = arith.constant 2048 : i32
    %broadcast_in_dim3A_312 = vector.broadcast %jit3A_311 : i32 to vector<512x2048xi32>
    %select_n3A_313 = arith.select %and3A_310, %iota3A, %broadcast_in_dim3A_312 : vector<512x2048xi1>, vector<512x2048xi32>
    %reduce_min3A_314 = arith.constant dense<2147483647> : vector<512xi32>
    %reduce_min3A_315 = vector.multi_reduction <minsi>, %select_n3A_313, %reduce_min3A_314 [1] : vector<512x2048xi32> to vector<512xi32>
    %broadcast_in_dim3A_316 = vector.shape_cast %reduce_min3A_315 : vector<512xi32> to vector<512x1xi32>
    %eq3A_317 = arith.constant 2048 : i32
    %eq3A_318 = vector.broadcast %eq3A_317 : i32 to vector<512x1xi32>
    %eq3A_319 = arith.cmpi eq, %broadcast_in_dim3A_316, %eq3A_318 : vector<512x1xi32>
    %select_n3A_320 = arith.select %eq3A_319, %broadcast_in_dim3A_86, %broadcast_in_dim3A_316 : vector<512x1xi1>, vector<512x1xi32>
    %gt3A_321 = vector.broadcast %broadcast_in_dim3A_316 : vector<512x1xi32> to vector<512x2048xi32>
    %gt3A_322 = arith.cmpi sgt, %iota3A, %gt3A_321 : vector<512x2048xi32>
    %and3A_323 = arith.andi %not3A_79, %gt3A_322 : vector<512x2048xi1>
    %jit3A_324 = arith.constant 2048 : i32
    %broadcast_in_dim3A_325 = vector.broadcast %jit3A_324 : i32 to vector<512x2048xi32>
    %select_n3A_326 = arith.select %and3A_323, %iota3A, %broadcast_in_dim3A_325 : vector<512x2048xi1>, vector<512x2048xi32>
    %reduce_min3A_327 = arith.constant dense<2147483647> : vector<512xi32>
    %reduce_min3A_328 = vector.multi_reduction <minsi>, %select_n3A_326, %reduce_min3A_327 [1] : vector<512x2048xi32> to vector<512xi32>
    %broadcast_in_dim3A_329 = vector.shape_cast %reduce_min3A_328 : vector<512xi32> to vector<512x1xi32>
    %eq3A_330 = arith.constant 2048 : i32
    %eq3A_331 = vector.broadcast %eq3A_330 : i32 to vector<512x1xi32>
    %eq3A_332 = arith.cmpi eq, %broadcast_in_dim3A_329, %eq3A_331 : vector<512x1xi32>
    %select_n3A_333 = arith.select %eq3A_332, %broadcast_in_dim3A_86, %broadcast_in_dim3A_329 : vector<512x1xi1>, vector<512x1xi32>
    %gt3A_334 = vector.broadcast %broadcast_in_dim3A_329 : vector<512x1xi32> to vector<512x2048xi32>
    %gt3A_335 = arith.cmpi sgt, %iota3A, %gt3A_334 : vector<512x2048xi32>
    %and3A_336 = arith.andi %not3A_79, %gt3A_335 : vector<512x2048xi1>
    %jit3A_337 = arith.constant 2048 : i32
    %broadcast_in_dim3A_338 = vector.broadcast %jit3A_337 : i32 to vector<512x2048xi32>
    %select_n3A_339 = arith.select %and3A_336, %iota3A, %broadcast_in_dim3A_338 : vector<512x2048xi1>, vector<512x2048xi32>
    %reduce_min3A_340 = arith.constant dense<2147483647> : vector<512xi32>
    %reduce_min3A_341 = vector.multi_reduction <minsi>, %select_n3A_339, %reduce_min3A_340 [1] : vector<512x2048xi32> to vector<512xi32>
    %broadcast_in_dim3A_342 = vector.shape_cast %reduce_min3A_341 : vector<512xi32> to vector<512x1xi32>
    %eq3A_343 = arith.constant 2048 : i32
    %eq3A_344 = vector.broadcast %eq3A_343 : i32 to vector<512x1xi32>
    %eq3A_345 = arith.cmpi eq, %broadcast_in_dim3A_342, %eq3A_344 : vector<512x1xi32>
    %select_n3A_346 = arith.select %eq3A_345, %broadcast_in_dim3A_86, %broadcast_in_dim3A_342 : vector<512x1xi1>, vector<512x1xi32>
    %gt3A_347 = vector.broadcast %broadcast_in_dim3A_342 : vector<512x1xi32> to vector<512x2048xi32>
    %gt3A_348 = arith.cmpi sgt, %iota3A, %gt3A_347 : vector<512x2048xi32>
    %and3A_349 = arith.andi %not3A_79, %gt3A_348 : vector<512x2048xi1>
    %jit3A_350 = arith.constant 2048 : i32
    %broadcast_in_dim3A_351 = vector.broadcast %jit3A_350 : i32 to vector<512x2048xi32>
    %select_n3A_352 = arith.select %and3A_349, %iota3A, %broadcast_in_dim3A_351 : vector<512x2048xi1>, vector<512x2048xi32>
    %reduce_min3A_353 = arith.constant dense<2147483647> : vector<512xi32>
    %reduce_min3A_354 = vector.multi_reduction <minsi>, %select_n3A_352, %reduce_min3A_353 [1] : vector<512x2048xi32> to vector<512xi32>
    %broadcast_in_dim3A_355 = vector.shape_cast %reduce_min3A_354 : vector<512xi32> to vector<512x1xi32>
    %eq3A_356 = arith.constant 2048 : i32
    %eq3A_357 = vector.broadcast %eq3A_356 : i32 to vector<512x1xi32>
    %eq3A_358 = arith.cmpi eq, %broadcast_in_dim3A_355, %eq3A_357 : vector<512x1xi32>
    %select_n3A_359 = arith.select %eq3A_358, %broadcast_in_dim3A_86, %broadcast_in_dim3A_355 : vector<512x1xi1>, vector<512x1xi32>
    %gt3A_360 = vector.broadcast %broadcast_in_dim3A_355 : vector<512x1xi32> to vector<512x2048xi32>
    %gt3A_361 = arith.cmpi sgt, %iota3A, %gt3A_360 : vector<512x2048xi32>
    %and3A_362 = arith.andi %not3A_79, %gt3A_361 : vector<512x2048xi1>
    %jit3A_363 = arith.constant 2048 : i32
    %broadcast_in_dim3A_364 = vector.broadcast %jit3A_363 : i32 to vector<512x2048xi32>
    %select_n3A_365 = arith.select %and3A_362, %iota3A, %broadcast_in_dim3A_364 : vector<512x2048xi1>, vector<512x2048xi32>
    %reduce_min3A_366 = arith.constant dense<2147483647> : vector<512xi32>
    %reduce_min3A_367 = vector.multi_reduction <minsi>, %select_n3A_365, %reduce_min3A_366 [1] : vector<512x2048xi32> to vector<512xi32>
    %broadcast_in_dim3A_368 = vector.shape_cast %reduce_min3A_367 : vector<512xi32> to vector<512x1xi32>
    %eq3A_369 = arith.constant 2048 : i32
    %eq3A_370 = vector.broadcast %eq3A_369 : i32 to vector<512x1xi32>
    %eq3A_371 = arith.cmpi eq, %broadcast_in_dim3A_368, %eq3A_370 : vector<512x1xi32>
    %select_n3A_372 = arith.select %eq3A_371, %broadcast_in_dim3A_86, %broadcast_in_dim3A_368 : vector<512x1xi1>, vector<512x1xi32>
    %gt3A_373 = vector.broadcast %broadcast_in_dim3A_368 : vector<512x1xi32> to vector<512x2048xi32>
    %gt3A_374 = arith.cmpi sgt, %iota3A, %gt3A_373 : vector<512x2048xi32>
    %and3A_375 = arith.andi %not3A_79, %gt3A_374 : vector<512x2048xi1>
    %jit3A_376 = arith.constant 2048 : i32
    %broadcast_in_dim3A_377 = vector.broadcast %jit3A_376 : i32 to vector<512x2048xi32>
    %select_n3A_378 = arith.select %and3A_375, %iota3A, %broadcast_in_dim3A_377 : vector<512x2048xi1>, vector<512x2048xi32>
    %reduce_min3A_379 = arith.constant dense<2147483647> : vector<512xi32>
    %reduce_min3A_380 = vector.multi_reduction <minsi>, %select_n3A_378, %reduce_min3A_379 [1] : vector<512x2048xi32> to vector<512xi32>
    %broadcast_in_dim3A_381 = vector.shape_cast %reduce_min3A_380 : vector<512xi32> to vector<512x1xi32>
    %eq3A_382 = arith.constant 2048 : i32
    %eq3A_383 = vector.broadcast %eq3A_382 : i32 to vector<512x1xi32>
    %eq3A_384 = arith.cmpi eq, %broadcast_in_dim3A_381, %eq3A_383 : vector<512x1xi32>
    %select_n3A_385 = arith.select %eq3A_384, %broadcast_in_dim3A_86, %broadcast_in_dim3A_381 : vector<512x1xi1>, vector<512x1xi32>
    %gt3A_386 = vector.broadcast %broadcast_in_dim3A_381 : vector<512x1xi32> to vector<512x2048xi32>
    %gt3A_387 = arith.cmpi sgt, %iota3A, %gt3A_386 : vector<512x2048xi32>
    %and3A_388 = arith.andi %not3A_79, %gt3A_387 : vector<512x2048xi1>
    %jit3A_389 = arith.constant 2048 : i32
    %broadcast_in_dim3A_390 = vector.broadcast %jit3A_389 : i32 to vector<512x2048xi32>
    %select_n3A_391 = arith.select %and3A_388, %iota3A, %broadcast_in_dim3A_390 : vector<512x2048xi1>, vector<512x2048xi32>
    %reduce_min3A_392 = arith.constant dense<2147483647> : vector<512xi32>
    %reduce_min3A_393 = vector.multi_reduction <minsi>, %select_n3A_391, %reduce_min3A_392 [1] : vector<512x2048xi32> to vector<512xi32>
    %broadcast_in_dim3A_394 = vector.shape_cast %reduce_min3A_393 : vector<512xi32> to vector<512x1xi32>
    %eq3A_395 = arith.constant 2048 : i32
    %eq3A_396 = vector.broadcast %eq3A_395 : i32 to vector<512x1xi32>
    %eq3A_397 = arith.cmpi eq, %broadcast_in_dim3A_394, %eq3A_396 : vector<512x1xi32>
    %select_n3A_398 = arith.select %eq3A_397, %broadcast_in_dim3A_86, %broadcast_in_dim3A_394 : vector<512x1xi1>, vector<512x1xi32>
    %gt3A_399 = vector.broadcast %broadcast_in_dim3A_394 : vector<512x1xi32> to vector<512x2048xi32>
    %gt3A_400 = arith.cmpi sgt, %iota3A, %gt3A_399 : vector<512x2048xi32>
    %and3A_401 = arith.andi %not3A_79, %gt3A_400 : vector<512x2048xi1>
    %jit3A_402 = arith.constant 2048 : i32
    %broadcast_in_dim3A_403 = vector.broadcast %jit3A_402 : i32 to vector<512x2048xi32>
    %select_n3A_404 = arith.select %and3A_401, %iota3A, %broadcast_in_dim3A_403 : vector<512x2048xi1>, vector<512x2048xi32>
    %reduce_min3A_405 = arith.constant dense<2147483647> : vector<512xi32>
    %reduce_min3A_406 = vector.multi_reduction <minsi>, %select_n3A_404, %reduce_min3A_405 [1] : vector<512x2048xi32> to vector<512xi32>
    %broadcast_in_dim3A_407 = vector.shape_cast %reduce_min3A_406 : vector<512xi32> to vector<512x1xi32>
    %eq3A_408 = arith.constant 2048 : i32
    %eq3A_409 = vector.broadcast %eq3A_408 : i32 to vector<512x1xi32>
    %eq3A_410 = arith.cmpi eq, %broadcast_in_dim3A_407, %eq3A_409 : vector<512x1xi32>
    %select_n3A_411 = arith.select %eq3A_410, %broadcast_in_dim3A_86, %broadcast_in_dim3A_407 : vector<512x1xi1>, vector<512x1xi32>
    %gt3A_412 = vector.broadcast %broadcast_in_dim3A_407 : vector<512x1xi32> to vector<512x2048xi32>
    %gt3A_413 = arith.cmpi sgt, %iota3A, %gt3A_412 : vector<512x2048xi32>
    %and3A_414 = arith.andi %not3A_79, %gt3A_413 : vector<512x2048xi1>
    %jit3A_415 = arith.constant 2048 : i32
    %broadcast_in_dim3A_416 = vector.broadcast %jit3A_415 : i32 to vector<512x2048xi32>
    %select_n3A_417 = arith.select %and3A_414, %iota3A, %broadcast_in_dim3A_416 : vector<512x2048xi1>, vector<512x2048xi32>
    %reduce_min3A_418 = arith.constant dense<2147483647> : vector<512xi32>
    %reduce_min3A_419 = vector.multi_reduction <minsi>, %select_n3A_417, %reduce_min3A_418 [1] : vector<512x2048xi32> to vector<512xi32>
    %broadcast_in_dim3A_420 = vector.shape_cast %reduce_min3A_419 : vector<512xi32> to vector<512x1xi32>
    %eq3A_421 = arith.constant 2048 : i32
    %eq3A_422 = vector.broadcast %eq3A_421 : i32 to vector<512x1xi32>
    %eq3A_423 = arith.cmpi eq, %broadcast_in_dim3A_420, %eq3A_422 : vector<512x1xi32>
    %select_n3A_424 = arith.select %eq3A_423, %broadcast_in_dim3A_86, %broadcast_in_dim3A_420 : vector<512x1xi1>, vector<512x1xi32>
    %gt3A_425 = vector.broadcast %broadcast_in_dim3A_420 : vector<512x1xi32> to vector<512x2048xi32>
    %gt3A_426 = arith.cmpi sgt, %iota3A, %gt3A_425 : vector<512x2048xi32>
    %and3A_427 = arith.andi %not3A_79, %gt3A_426 : vector<512x2048xi1>
    %jit3A_428 = arith.constant 2048 : i32
    %broadcast_in_dim3A_429 = vector.broadcast %jit3A_428 : i32 to vector<512x2048xi32>
    %select_n3A_430 = arith.select %and3A_427, %iota3A, %broadcast_in_dim3A_429 : vector<512x2048xi1>, vector<512x2048xi32>
    %reduce_min3A_431 = arith.constant dense<2147483647> : vector<512xi32>
    %reduce_min3A_432 = vector.multi_reduction <minsi>, %select_n3A_430, %reduce_min3A_431 [1] : vector<512x2048xi32> to vector<512xi32>
    %broadcast_in_dim3A_433 = vector.shape_cast %reduce_min3A_432 : vector<512xi32> to vector<512x1xi32>
    %eq3A_434 = arith.constant 2048 : i32
    %eq3A_435 = vector.broadcast %eq3A_434 : i32 to vector<512x1xi32>
    %eq3A_436 = arith.cmpi eq, %broadcast_in_dim3A_433, %eq3A_435 : vector<512x1xi32>
    %select_n3A_437 = arith.select %eq3A_436, %broadcast_in_dim3A_86, %broadcast_in_dim3A_433 : vector<512x1xi1>, vector<512x1xi32>
    %gt3A_438 = vector.broadcast %broadcast_in_dim3A_433 : vector<512x1xi32> to vector<512x2048xi32>
    %gt3A_439 = arith.cmpi sgt, %iota3A, %gt3A_438 : vector<512x2048xi32>
    %and3A_440 = arith.andi %not3A_79, %gt3A_439 : vector<512x2048xi1>
    %jit3A_441 = arith.constant 2048 : i32
    %broadcast_in_dim3A_442 = vector.broadcast %jit3A_441 : i32 to vector<512x2048xi32>
    %select_n3A_443 = arith.select %and3A_440, %iota3A, %broadcast_in_dim3A_442 : vector<512x2048xi1>, vector<512x2048xi32>
    %reduce_min3A_444 = arith.constant dense<2147483647> : vector<512xi32>
    %reduce_min3A_445 = vector.multi_reduction <minsi>, %select_n3A_443, %reduce_min3A_444 [1] : vector<512x2048xi32> to vector<512xi32>
    %broadcast_in_dim3A_446 = vector.shape_cast %reduce_min3A_445 : vector<512xi32> to vector<512x1xi32>
    %eq3A_447 = arith.constant 2048 : i32
    %eq3A_448 = vector.broadcast %eq3A_447 : i32 to vector<512x1xi32>
    %eq3A_449 = arith.cmpi eq, %broadcast_in_dim3A_446, %eq3A_448 : vector<512x1xi32>
    %select_n3A_450 = arith.select %eq3A_449, %broadcast_in_dim3A_86, %broadcast_in_dim3A_446 : vector<512x1xi1>, vector<512x1xi32>
    %gt3A_451 = vector.broadcast %broadcast_in_dim3A_446 : vector<512x1xi32> to vector<512x2048xi32>
    %gt3A_452 = arith.cmpi sgt, %iota3A, %gt3A_451 : vector<512x2048xi32>
    %and3A_453 = arith.andi %not3A_79, %gt3A_452 : vector<512x2048xi1>
    %jit3A_454 = arith.constant 2048 : i32
    %broadcast_in_dim3A_455 = vector.broadcast %jit3A_454 : i32 to vector<512x2048xi32>
    %select_n3A_456 = arith.select %and3A_453, %iota3A, %broadcast_in_dim3A_455 : vector<512x2048xi1>, vector<512x2048xi32>
    %reduce_min3A_457 = arith.constant dense<2147483647> : vector<512xi32>
    %reduce_min3A_458 = vector.multi_reduction <minsi>, %select_n3A_456, %reduce_min3A_457 [1] : vector<512x2048xi32> to vector<512xi32>
    %broadcast_in_dim3A_459 = vector.shape_cast %reduce_min3A_458 : vector<512xi32> to vector<512x1xi32>
    %eq3A_460 = arith.constant 2048 : i32
    %eq3A_461 = vector.broadcast %eq3A_460 : i32 to vector<512x1xi32>
    %eq3A_462 = arith.cmpi eq, %broadcast_in_dim3A_459, %eq3A_461 : vector<512x1xi32>
    %select_n3A_463 = arith.select %eq3A_462, %broadcast_in_dim3A_86, %broadcast_in_dim3A_459 : vector<512x1xi1>, vector<512x1xi32>
    %gt3A_464 = vector.broadcast %broadcast_in_dim3A_459 : vector<512x1xi32> to vector<512x2048xi32>
    %gt3A_465 = arith.cmpi sgt, %iota3A, %gt3A_464 : vector<512x2048xi32>
    %and3A_466 = arith.andi %not3A_79, %gt3A_465 : vector<512x2048xi1>
    %jit3A_467 = arith.constant 2048 : i32
    %broadcast_in_dim3A_468 = vector.broadcast %jit3A_467 : i32 to vector<512x2048xi32>
    %select_n3A_469 = arith.select %and3A_466, %iota3A, %broadcast_in_dim3A_468 : vector<512x2048xi1>, vector<512x2048xi32>
    %reduce_min3A_470 = arith.constant dense<2147483647> : vector<512xi32>
    %reduce_min3A_471 = vector.multi_reduction <minsi>, %select_n3A_469, %reduce_min3A_470 [1] : vector<512x2048xi32> to vector<512xi32>
    %broadcast_in_dim3A_472 = vector.shape_cast %reduce_min3A_471 : vector<512xi32> to vector<512x1xi32>
    %eq3A_473 = arith.constant 2048 : i32
    %eq3A_474 = vector.broadcast %eq3A_473 : i32 to vector<512x1xi32>
    %eq3A_475 = arith.cmpi eq, %broadcast_in_dim3A_472, %eq3A_474 : vector<512x1xi32>
    %select_n3A_476 = arith.select %eq3A_475, %broadcast_in_dim3A_86, %broadcast_in_dim3A_472 : vector<512x1xi1>, vector<512x1xi32>
    %gt3A_477 = vector.broadcast %broadcast_in_dim3A_472 : vector<512x1xi32> to vector<512x2048xi32>
    %gt3A_478 = arith.cmpi sgt, %iota3A, %gt3A_477 : vector<512x2048xi32>
    %and3A_479 = arith.andi %not3A_79, %gt3A_478 : vector<512x2048xi1>
    %jit3A_480 = arith.constant 2048 : i32
    %broadcast_in_dim3A_481 = vector.broadcast %jit3A_480 : i32 to vector<512x2048xi32>
    %select_n3A_482 = arith.select %and3A_479, %iota3A, %broadcast_in_dim3A_481 : vector<512x2048xi1>, vector<512x2048xi32>
    %reduce_min3A_483 = arith.constant dense<2147483647> : vector<512xi32>
    %reduce_min3A_484 = vector.multi_reduction <minsi>, %select_n3A_482, %reduce_min3A_483 [1] : vector<512x2048xi32> to vector<512xi32>
    %broadcast_in_dim3A_485 = vector.shape_cast %reduce_min3A_484 : vector<512xi32> to vector<512x1xi32>
    %eq3A_486 = arith.constant 2048 : i32
    %eq3A_487 = vector.broadcast %eq3A_486 : i32 to vector<512x1xi32>
    %eq3A_488 = arith.cmpi eq, %broadcast_in_dim3A_485, %eq3A_487 : vector<512x1xi32>
    %select_n3A_489 = arith.select %eq3A_488, %broadcast_in_dim3A_86, %broadcast_in_dim3A_485 : vector<512x1xi1>, vector<512x1xi32>
    %concatenate3A_490 = tpu.concatenate %broadcast_in_dim3A_86, %select_n3A_99, %select_n3A_112, %select_n3A_125, %select_n3A_138, %select_n3A_151, %select_n3A_164, %select_n3A_177, %select_n3A_190, %select_n3A_203, %select_n3A_216, %select_n3A_229, %select_n3A_242, %select_n3A_255, %select_n3A_268, %select_n3A_281, %select_n3A_294, %select_n3A_307, %select_n3A_320, %select_n3A_333, %select_n3A_346, %select_n3A_359, %select_n3A_372, %select_n3A_385, %select_n3A_398, %select_n3A_411, %select_n3A_424, %select_n3A_437, %select_n3A_450, %select_n3A_463, %select_n3A_476, %select_n3A_489 in 1 : vector<512x1xi32>, vector<512x1xi32>, vector<512x1xi32>, vector<512x1xi32>, vector<512x1xi32>, vector<512x1xi32>, vector<512x1xi32>, vector<512x1xi32>, vector<512x1xi32>, vector<512x1xi32>, vector<512x1xi32>, vector<512x1xi32>, vector<512x1xi32>, vector<512x1xi32>, vector<512x1xi32>, vector<512x1xi32>, vector<512x1xi32>, vector<512x1xi32>, vector<512x1xi32>, vector<512x1xi32>, vector<512x1xi32>, vector<512x1xi32>, vector<512x1xi32>, vector<512x1xi32>, vector<512x1xi32>, vector<512x1xi32>, vector<512x1xi32>, vector<512x1xi32>, vector<512x1xi32>, vector<512x1xi32>, vector<512x1xi32>, vector<512x1xi32> -> vector<512x32xi32>
    %swap3A_491 = arith.constant 0 : index
    %swap3A_492 = arith.constant 0 : index
    %swap3A_493 = arith.constant 0 : index
    %swap3A_494 = vector.load %arg6[%swap3A_491, %swap3A_492, %swap3A_493] : memref<1x512x32xi32, #tpu.memory_space<vmem>>, vector<1x512x32xi32>
    %swap3A_495 = vector.shape_cast %swap3A_494 : vector<1x512x32xi32> to vector<512x32xi32>
    %swap3A_496 = vector.shape_cast %concatenate3A_490 : vector<512x32xi32> to vector<1x512x32xi32>
    tpu.vector_store %arg6[%swap3A_491, %swap3A_492, %swap3A_493], %swap3A_496 {strides = array<i32>} : memref<1x512x32xi32, #tpu.memory_space<vmem>>, vector<1x512x32xi32>,
    return
  }
  func.func @transform_0(%arg0: i32) -> (i32, i32, i32) {
    %c0_i32 = arith.constant 0 : i32
    %c0_i32_0 = arith.constant 0 : i32
    %c0_i32_1 = arith.constant 0 : i32
    return %arg0, %c0_i32, %c0_i32_0 : i32, i32, i32
  }
  func.func @transform_1(%arg0: i32) -> (i32, i32, i32) {
    %c0_i32 = arith.constant 0 : i32
    %c0_i32_0 = arith.constant 0 : i32
    %c0_i32_1 = arith.constant 0 : i32
    return %arg0, %c0_i32, %c0_i32_0 : i32, i32, i32
  }
  func.func @transform_2(%arg0: i32) -> (i32, i32, i32) {
    %c0_i32 = arith.constant 0 : i32
    %c0_i32_0 = arith.constant 0 : i32
    %c0_i32_1 = arith.constant 0 : i32
    return %arg0, %c0_i32, %c0_i32_0 : i32, i32, i32
  }
  func.func @transform_3(%arg0: i32) -> (i32, i32, i32) {
    %c0_i32 = arith.constant 0 : i32
    %c0_i32_0 = arith.constant 0 : i32
    %c0_i32_1 = arith.constant 0 : i32
    return %arg0, %c0_i32, %c0_i32_0 : i32, i32, i32
  }
  func.func @transform_4(%arg0: i32) -> (i32, i32, i32) {
    %c0_i32 = arith.constant 0 : i32
    %c0_i32_0 = arith.constant 0 : i32
    %c0_i32_1 = arith.constant 0 : i32
    return %arg0, %c0_i32, %c0_i32_0 : i32, i32, i32
  }
  func.func @transform_5(%arg0: i32) -> (i32, i32, i32) {
    %c0_i32 = arith.constant 0 : i32
    %c0_i32_0 = arith.constant 0 : i32
    %c0_i32_1 = arith.constant 0 : i32
    return %arg0, %c0_i32, %c0_i32_0 : i32, i32, i32
  }
  func.func @transform_6(%arg0: i32) -> (i32, i32, i32) {
    %c0_i32 = arith.constant 0 : i32
    %c0_i32_0 = arith.constant 0 : i32
    %c0_i32_1 = arith.constant 0 : i32
    return %arg0, %c0_i32, %c0_i32_0 : i32, i32, i32
  }
}

module attributes {stable_mosaic.version = 14 : i64} {
  func.func @_gather_body(%arg0: i32, %arg1: i32, %arg2: memref<1x2048x256xf32, #tpu.memory_space<vmem>>, %arg3: memref<1x2048x3xf32, #tpu.memory_space<vmem>>, %arg4: memref<1x1024x1xi32, #tpu.memory_space<vmem>>, %arg5: memref<1x32x1xi32, #tpu.memory_space<vmem>>, %arg6: memref<1x1024x515xf32, #tpu.memory_space<vmem>>) attributes {dimension_semantics = [#tpu.dimension_semantics<arbitrary>, #tpu.dimension_semantics<arbitrary>], iteration_bounds = array<i64: 16, 16>, scalar_prefetch = 0 : i64, scratch_operands = 0 : i64, tpu.core_type = #tpu.core_type<tc>, window_params = [{transform_indices = @transform_0, window_bounds = array<i64: 1, 2048, 256>}, {transform_indices = @transform_1, window_bounds = array<i64: 1, 2048, 3>}, {transform_indices = @transform_2, window_bounds = array<i64: 1, 1024, 1>}, {transform_indices = @transform_3, window_bounds = array<i64: 1, 32, 1>}, {transform_indices = @transform_4, window_bounds = array<i64: 1, 1024, 515>}]} {
    %get3A = arith.constant 0 : index
    %get3A_0 = arith.constant 0 : index
    %get3A_1 = arith.constant 0 : index
    %get3A_2 = vector.load %arg4[%get3A, %get3A_0, %get3A_1] : memref<1x1024x1xi32, #tpu.memory_space<vmem>>, vector<1x1024x1xi32>
    %get3A_3 = vector.shape_cast %get3A_2 : vector<1x1024x1xi32> to vector<1024x1xi32>
    %iota3A = tpu.iota {dimensions = array<i32: 1>} : vector<1024x2048xi32>
    %eq3A = vector.broadcast %get3A_3 : vector<1024x1xi32> to vector<1024x2048xi32>
    %eq3A_4 = arith.cmpi eq, %iota3A, %eq3A : vector<1024x2048xi32>
    %convert_element_type3A = arith.extui %eq3A_4 : vector<1024x2048xi1> to vector<1024x2048xi32>
    %convert_element_type3A_5 = arith.sitofp %convert_element_type3A : vector<1024x2048xi32> to vector<1024x2048xf32>
    %get3A_6 = arith.constant 0 : index
    %get3A_7 = arith.constant 0 : index
    %get3A_8 = arith.constant 0 : index
    %get3A_9 = vector.load %arg2[%get3A_6, %get3A_7, %get3A_8] : memref<1x2048x256xf32, #tpu.memory_space<vmem>>, vector<1x2048x256xf32>
    %get3A_10 = vector.shape_cast %get3A_9 : vector<1x2048x256xf32> to vector<2048x256xf32>
    %dot_general3A = arith.constant dense<0.000000e+00> : vector<1024x256xf32>
    %dot_general3A_11 = tpu.matmul %convert_element_type3A_5, %get3A_10, %dot_general3A {dimension_numbers = #tpu.dot_dimension_numbers<[1], [0], [0], [1], [0, 0, 1, 1], [], []>, precision = #tpu.contract_precision<fp32>, transpose_lhs_hint = false} : vector<1024x2048xf32>, vector<2048x256xf32>, vector<1024x256xf32> -> vector<1024x256xf32>
    %get3A_12 = arith.constant 0 : index
    %get3A_13 = arith.constant 0 : index
    %get3A_14 = arith.constant 0 : index
    %get3A_15 = vector.load %arg3[%get3A_12, %get3A_13, %get3A_14] : memref<1x2048x3xf32, #tpu.memory_space<vmem>>, vector<1x2048x3xf32>
    %get3A_16 = vector.shape_cast %get3A_15 : vector<1x2048x3xf32> to vector<2048x3xf32>
    %dot_general3A_17 = arith.constant dense<0.000000e+00> : vector<1024x3xf32>
    %dot_general3A_18 = tpu.matmul %convert_element_type3A_5, %get3A_16, %dot_general3A_17 {dimension_numbers = #tpu.dot_dimension_numbers<[1], [0], [0], [1], [0, 0, 1, 1], [], []>, precision = #tpu.contract_precision<fp32>, transpose_lhs_hint = false} : vector<1024x2048xf32>, vector<2048x3xf32>, vector<1024x3xf32> -> vector<1024x3xf32>
    %get3A_19 = arith.constant 0 : index
    %get3A_20 = arith.constant 0 : index
    %get3A_21 = arith.constant 0 : index
    %get3A_22 = vector.load %arg5[%get3A_19, %get3A_20, %get3A_21] : memref<1x32x1xi32, #tpu.memory_space<vmem>>, vector<1x32x1xi32>
    %get3A_23 = vector.shape_cast %get3A_22 : vector<1x32x1xi32> to vector<32x1xi32>
    %iota3A_24 = tpu.iota {dimensions = array<i32: 1>} : vector<32x2048xi32>
    %eq3A_25 = vector.broadcast %get3A_23 : vector<32x1xi32> to vector<32x2048xi32>
    %eq3A_26 = arith.cmpi eq, %iota3A_24, %eq3A_25 : vector<32x2048xi32>
    %convert_element_type3A_27 = arith.extui %eq3A_26 : vector<32x2048xi1> to vector<32x2048xi32>
    %convert_element_type3A_28 = arith.sitofp %convert_element_type3A_27 : vector<32x2048xi32> to vector<32x2048xf32>
    %dot_general3A_29 = arith.constant dense<0.000000e+00> : vector<32x256xf32>
    %dot_general3A_30 = tpu.matmul %convert_element_type3A_28, %get3A_10, %dot_general3A_29 {dimension_numbers = #tpu.dot_dimension_numbers<[1], [0], [0], [1], [0, 0, 1, 1], [], []>, precision = #tpu.contract_precision<fp32>, transpose_lhs_hint = false} : vector<32x2048xf32>, vector<2048x256xf32>, vector<32x256xf32> -> vector<32x256xf32>
    %broadcast_in_dim3A = vector.shape_cast %dot_general3A_30 : vector<32x256xf32> to vector<32x1x256xf32>
    %broadcast_in_dim3A_31 = vector.shape_cast %broadcast_in_dim3A : vector<32x1x256xf32> to vector<32x1x256xf32>
    %broadcast_in_dim3A_32 = vector.broadcast %broadcast_in_dim3A_31 : vector<32x1x256xf32> to vector<32x32x256xf32>
    %reshape3A = vector.shape_cast %broadcast_in_dim3A_32 : vector<32x32x256xf32> to vector<1024x256xf32>
    %concatenate3A = tpu.concatenate %dot_general3A_11, %dot_general3A_18, %reshape3A in 1 : vector<1024x256xf32>, vector<1024x3xf32>, vector<1024x256xf32> -> vector<1024x515xf32>
    %swap3A = arith.constant 0 : index
    %swap3A_33 = arith.constant 0 : index
    %swap3A_34 = arith.constant 0 : index
    %swap3A_35 = vector.load %arg6[%swap3A, %swap3A_33, %swap3A_34] : memref<1x1024x515xf32, #tpu.memory_space<vmem>>, vector<1x1024x515xf32>
    %swap3A_36 = vector.shape_cast %swap3A_35 : vector<1x1024x515xf32> to vector<1024x515xf32>
    %swap3A_37 = vector.shape_cast %concatenate3A : vector<1024x515xf32> to vector<1x1024x515xf32>
    tpu.vector_store %arg6[%swap3A, %swap3A_33, %swap3A_34], %swap3A_37 {strides = array<i32>} : memref<1x1024x515xf32, #tpu.memory_space<vmem>>, vector<1x1024x515xf32>,
    return
  }
  func.func @transform_0(%arg0: i32, %arg1: i32) -> (i32, i32, i32) {
    %c0_i32 = arith.constant 0 : i32
    %c0_i32_0 = arith.constant 0 : i32
    %c0_i32_1 = arith.constant 0 : i32
    return %arg0, %c0_i32, %c0_i32_0 : i32, i32, i32
  }
  func.func @transform_1(%arg0: i32, %arg1: i32) -> (i32, i32, i32) {
    %c0_i32 = arith.constant 0 : i32
    %c0_i32_0 = arith.constant 0 : i32
    %c0_i32_1 = arith.constant 0 : i32
    return %arg0, %c0_i32, %c0_i32_0 : i32, i32, i32
  }
  func.func @transform_2(%arg0: i32, %arg1: i32) -> (i32, i32, i32) {
    %c0_i32 = arith.constant 0 : i32
    %c0_i32_0 = arith.constant 0 : i32
    return %arg0, %arg1, %c0_i32 : i32, i32, i32
  }
  func.func @transform_3(%arg0: i32, %arg1: i32) -> (i32, i32, i32) {
    %c0_i32 = arith.constant 0 : i32
    %c0_i32_0 = arith.constant 0 : i32
    return %arg0, %arg1, %c0_i32 : i32, i32, i32
  }
  func.func @transform_4(%arg0: i32, %arg1: i32) -> (i32, i32, i32) {
    %c0_i32 = arith.constant 0 : i32
    %c0_i32_0 = arith.constant 0 : i32
    return %arg0, %arg1, %c0_i32 : i32, i32, i32
  }
}

</mosaic_0001>

<sc_bundles>
// kernel: sparse-core-data-format-call.cloned.1.call-start
scs
called_computation_lowered:
.L_overlay_start_0:
0x0: {  	s2 =	sld [smem:$0x3FD9]  }
0x1: {  	s3 =	sld [smem:$0x3FFE];
	_ =	sdelay $0x1  }
0x2: {  	s1 =	srdreg.scid  }
0x3: {  	s0 =	sand.u32 $0x1, s1  }
0x4: {  	s15 =	sshll.u32 s0, $0xA;
	s2 =	sadd.s32 s3, s2  }
0x5: {  	s2 =	sadd.s32 s2, s15  }
0x6: {  	[smem:$0x3FC6] =	sst s2  }
0x7: {  	_ = 	snop  }
0x8: {  	s2 =	sld [smem:$0x3FD0];
	_ =	sdelay $0x2  }
0x9: {  	s16 =	simm.s32 $0xA;
	s4 =	simm.s32 $0x10  }
0xa: {  	[smem:s4], [sflag:s16] =	dma.local [hbm:s2], $0x1  }
0xb: {  	_ =	swait.eq [sflag:s16], $0x1  }
0xc: {  	[sflag:s16] =	ssyncset.done $0x0  }
0xd: {  	[sflag:s16] =	ssyncadd.s32 $0xFFFFFFFF  }
0xe: {  	s17 =	sld [smem:$0x11];
	(tm) =	ssettm $0x1  }
0xf: {  	s18 =	sld [smem:$0x3FFB];
	_ =	sdelay $0x3  }
0x10: {  	_ =	strace s18  }
0x11: {  	s3 =	sld [smem:$0x3FFC];
	_ =	sdelay $0x3  }
0x12: {  	_ =	strace s3  }
0x13: {  	s3 =	sld [smem:$0x3FFD];
	_ =	sdelay $0x3  }
0x14: {  	_ =	strace s3  }
0x15: {  	_ =	strace $0x8FFFFFFF  }
0x16: {  	s19 =	sld [smem:$0x3FDB];
	_ =	sdelay $0x1  }
0x17: {  	s20 =	simm.s32 $_scs_section_size  }
0x18: {  	s5 =	simm.s32 $_size__tile_overlayer_lowered;
	s6 =	simm.s32 $_tile_overlayer_lowered  }
0x19: {  	s23 =	simm.s32 $0x1BFF;
	s22 =	sshll.u32 s6, $0x1;
	s3 =	sadd.s32 s20, s19  }
0x1a: {  	s7 =	simm.s32 $0x0;
	s21 =	sshll.u32 s5, $0x1;
	s5 =	sadd.s32 s22, s3  }
0x1b: {  	[timem:s7], [sflag:s23] =	dma.local [hbm:s5], s21  }
0x1c: {  	_ =	swait.ge [sflag:s23], s21  }
0x1d: {  	s4 =	ssub.s32 $0x0, s21;
	[sflag:s23] =	ssyncset.done $0x0  }
0x1e: {  	[sflag:s23] =	ssyncadd.s32 s4;
	_ =	sdelay $0x1  }
0x1f: {  	s24 =	simm.s32 $0x1B8B  }
0x20: {  	_ =	swait.ge [sflag:s24], $0x1  }
0x21: {  	[sflag:s24] =	ssyncset.done $0x0  }
0x22: {  	s26 =	simm.s32 $0x1B8E;
	s25 =	sld [smem:$0x3FFE];
	[sflag:s24] =	ssyncadd.s32 $0xFFFFFFFF  }
0x23: {  	s27 =	simm.s32 $execute0_lowered;
	[smem:$0x3FD2] =	sst s26  }
0x24: {  	s5 =	sshll.u32 s27, $0x1;
	_ =	strace $0x80000046;
	[dreg:$0x1] =	wrdreg $0xFFFFFFFF  }
0x25: {  	s28 =	simm.s32 $_size_execute0_lowered;
	s3 =	sadd.s32 s3, s5;
	[dreg:$0x0] =	wrdreg $0x0  }
0x26: {  	s5 =	sshll.u32 s28, $0x1;
	[dreg:$0x2] =	wrdreg s3  }
0x27: {  	[dreg:$0x3] =	wrdreg s5  }
0x28: {  	[dreg:$0x4] =	wrdreg $0xC0  }
0x29: {  	_ =	task [dreg:s7], $0x5FFFF  }
0x2a: {  	[dreg:$0x1] =	wrdreg $0xFFFFFFFF  }
0x2b: {  	[dreg:$0x0] =	wrdreg $0x60  }
0x2c: {  	[dreg:$0x2] =	wrdreg s25  }
0x2d: {  	[dreg:$0x3] =	wrdreg s17  }
0x2e: {  	[dreg:$0x4] =	wrdreg $0x9  }
0x2f: {  	_ =	task.clear_ibuf [dreg:s7], $0x5FFFF;
	_ =	strace $0x90000046  }
0x30: {  	s29 =	simm.s32 $0x9;
	_ =	strace $0x80000048  }
0x31: {  	_ =	swait.ge [sflag:s29], $0x1  }
0x32: {  	[sflag:s29] =	ssyncadd.s32 $0xFFFFFFFF  }
0x33: {  	_ =	strace $0x90000048  }
0x34: {  	_ =	sfence  }
0x35: {  	s30 =	sld [smem:$0x0];
	_ =	sdelay $0x2  }
0x36: {  	s31 =	sshll.u32 s1, $0xD;
	s1 =	sshrl.u32 s1, $0x2  }
0x37: {  	s3 =	sand.u32 $0x4000, s31;
	s1 =	sadd.s32 s1, s30  }
0x38: {  	s0 =	sor.u32 s3, s0;
	s1 =	sshll.u32 s1, $0x11  }
0x39: {  	s0 =	sor.u32 s1, s0  }
0x3a: {  	s0 =	sadd.s32 $0x8F2B, s0  }
0x3b: {  	[sflag:s0] =	ssyncadd.remote.s32 $0x1  }
0x3c: {  	_ =	sfence.sel $0xFFFF  }
0x3d: {  	[dreg:$0x0] =	wrdreg $0xFFFFFFFF;
	(pc) =	sbr.abs _section_cstart, $3  }
0x3e: {  	[dreg:$0x1] =	wrdreg $0xFFFFFFFF  }
0x3f: {  	_ =	task.clear_ibuf [dreg:s7], $0x2FFFF;
	_ =	strace $0x9FFFFFFF  }
0x40: {  	(tm) =	ssettm $0x7FFFFFFF  }
0x41: {  	_ =	shalt  }
tec
execute0_lowered:
.L_overlay_start_1:
0x0: {  	(tag) =	ssettag $0x1  }
0x1: {  	s0 =	srdreg.scid;
	s3 =	rddreg [dreg:$0x0]  }
0x2: {  	s2 =	rddreg [dreg:$0x1];
	_ =	strace $0x80000047;
	s7 =	simm.s32 $0x2  }
0x3: {  	s18 =	simm.s32 $0x0;
	p0 =	por $0x0, $0x0;
	s8 =	simm.s32 $0x4000  }
0x4: {  	s20 =	simm.s32 $0x0;
	s19 =	simm.s32 $0x0;
	s0 =	sshll.u32 s0, $0x7  }
0x5: {  	s21 =	simm.s32 $0x0;
	s9 =	simm.s32 $0x0;
	s1 =	sand.u32 $0x80, s0  }
0x6: {  	s10 =	simm.s32 $0x0;
	s11 =	simm.s32 $0x0;
	s4 =	ssub.s32 $0x200, s1  }
0x7: {  	s12 =	simm.s32 $0x0;
	s13 =	simm.s32 $0x0;
	s5 =	sshrl.u32 s4, $0x7  }
.Ltmp0:
0x8: {  	s6 =	sshrl.u32 s4, $0x8;
	s5 =	sand.u32 $0x1, s5;
	(pc) =	sbr.rel .LBB1_1-.Ltmp0, $4  }
0x9: {  	s14 =	simm.s32 $0x0;
	s16 =	stileid.u32;
	s5 =	sadd.s32 s6, s5  }
0xa: {  	s17 =	simm.s32 $0x0;
	s4 =	simm.s32 $0x1;
	s5 =	smul.u32 $0xA0, s5  }
0xb: {  	s15 =	smov.u32 s1;
	[sflag:s4] =	ssyncpa.u1 $0x0;
	s6 =	sadd.s32 $0xA1200, s3  }
0xc: {  	s3 =	stileid.u32;
	[sflag:s7] =	ssyncpa.u1 $0x0;
	s7 =	sor.u32 $0x1, s5  }
.LBB1_4:
0xd: {  	s26 =	sshra.s32 s26, $0x2;
	s27 =	sshll.u32 s10, $0x9;
	s30 =	sshll.u32 s11, $0x3  }
0xe: {  	p1 =	sgt.s32 s12, $0xF;
	s28 =	smov.u32 s12;
	s29 =	sshra.s32 s12, $0x1F  }
0xf: {  	p2 =	sgt.s32 s11, $0x180;
	s25 =	sadd.s32 s26, s25;
	s0 =	sand.u32 $0x3000, s27  }
0x10: {  	s27 =	sand.u32 $0x3C00, s30;
	s30 =	sshll.u32 s10, $0x7;
	s28 =	simm.s32 @!p1 $0xF  }
0x11: {  	s29 =	sand.u32 s29, s12;
	s26 =	sadd.s32 s27, s0;
	s31 =	sand.u32 $0x200, s30  }
0x12: {  	s28 =	ssub.s32 s28, s29;
	s29 =	smov.u32 s11;
	s27 =	sshra.s32 s11, $0x1F  }
0x13: {  	s26 =	sor.u32 s31, s26;
	s0 =	sadd.s32 $0xFFFFFFF1, s28;
	s29 =	simm.s32 @!p2 $0x180  }
0x14: {  	p2 =	sgt.s32 s10, $0x1F;
	s31 =	smov.u32 s10;
	s27 =	sand.u32 s27, s11  }
0x15: {  	s28 =	ssub.s32 $0x10, s28;
	p1 =	sgt.s32 s0, $0x0;
	s0 =	sshra.s32 s10, $0x1F  }
0x16: {  	s27 =	ssub.s32 s29, s27;
	s31 =	simm.s32 @!p2 $0x1F;
	p2 =	sgt.s32 s9, $0x183  }
0x17: {  	s26 =	sshrl.u32 s26, $0x3;
	s0 =	sand.u32 s0, s10;
	s29 =	sadd.s32 $0xFFFFFE80, s27  }
0x18: {  	v5 =	vld [tilespmem:s23+$0xFFFFFFD0];
	[tilespmem:s24+$0x2040 ss:$0x81] =	vst.msk $0xffff, v4;
	s28 =	simm.s32 @p1 $0x0;
	s27 =	ssub.s32 $0x200, s27;
	s0 =	ssub.s32 s31, s0  }
0x19: {  	v59 =	vld [tilespmem:s23+$0xFFFFFFE0];
	[tilespmem:s24+$0x2850 ss:$0x81] =	vst.msk $0xffff, v3;
	p1 =	sgt.s32 s29, $0x7F;
	s29 =	smov.u32 s9;
	s31 =	sadd.s32 $0xFFFFFFE1, s0  }
0x1a: {  	v60 =	vld [tilespmem:s23+$0xFFFFFFF0];
	[tilespmem:s24+$0x3060 ss:$0x81] =	vst.msk $0xffff, v2;
	s27 =	simm.s32 @p1 $0x0;
	s29 =	simm.s32 @!p2 $0x183;
	s0 =	ssub.s32 $0x20, s0  }
0x1b: {  	v61 =	vld [tilespmem:s23+$0x0];
	[tilespmem:s24+$0x0 ss:$0x81] =	vst.msk $0xffff, v0;
	p1 =	sgt.s32 s31, $0x0;
	s27 =	smul.u32 s28, s27;
	s31 =	sshra.s32 s9, $0x1F  }
0x1c: {  	v62 =	vld [tilespmem:s23+$0x10];
	[tilespmem:s25+$0x3870 ss:$0x81] =	vst.msk $0xffff, v1;
	s28 =	sand.u32 s31, s9;
	s0 =	simm.s32 @p1 $0x0;
	s31 =	smul.u32 $0x101800, s12  }
0x1d: {  	v63 =	vld [tilespmem:s23+$0x20];
	[tilespmem:s25+$0x810 ss:$0x81] =	vst.msk $0xffff, v5;
	s24 =	ssub.s32 s29, s28;
	s28 =	sand.u32 $0x78, s11;
	s29 =	sand.u32 $0x180, s30  }
0x1e: {  	v6 =	vld [tilespmem:s23+$0xFFFFFFC0];
	[tilespmem:s25+$0x1020 ss:$0x81] =	vst.msk $0xffff, v59;
	s0 =	smul.u32 s0, s27;
	s30 =	sadd.s32 $0xFFFFFE7D, s24;
	s24 =	ssub.s32 $0x203, s24  }
0x1f: {  	[tilespmem:s25+$0x1830 ss:$0x81] =	vst.msk $0xffff, v60;
	s23 =	sor.u32 s28, s29;
	s29 =	sshll.u32 s9, $0xB;
	p1 =	sgt.s32 s30, $0x7F  }
0x20: {  	[tilespmem:s25+$0x2040 ss:$0x81] =	vst.msk $0xffff, v61;
	s27 =	sadd.s32 s2, s31;
	s23 =	sshrl.u32 s23, $0x3;
	s24 =	simm.s32 @p1 $0x0  }
0x21: {  	[tilespmem:s25+$0x2850 ss:$0x81] =	vst.msk $0xffff, v62;
	s30 =	sand.u32 $0x7, s11;
	s0 =	smul.u32 s24, s0;
	s24 =	sadd.s32 s29, s27  }
0x22: {  	[tilespmem:s25+$0x3060 ss:$0x81] =	vst.msk $0xffff, v63;
	s26 =	sand.u32 $0x7C0, s26;
	s31 =	sshll.u32 s30, $0x12;
	s23 =	sadd.s32 s23, s24  }
0x23: {  	[tilespmem:s25+$0x0 ss:$0x81] =	vst.msk $0xffff, v6;
	s24 =	sor.u32 $0x80, s31;
	s0 =	sand.u32 $0x3FFFFFFF, s0;
	s23 =	sadd.s32 s26, s23  }
0x24: {  	[hbm4b:s23+s24] =	stream.strided.scatter [tilespmem:s22], [sflag:$0x2], s0, s8, s24, $0x20;
	[tilespmem:$0x10100] =	vst v63  }
.LBB1_5:
0x25: {  	p1 =	slt.u32 s17, $0x2  }
0x26: {  	s0 =	smov.u32 s21;
	p2 =	sgt.s32 @!p1 s21, $0xF  }
0x27: {  	s23 =	sadd.s32 $0x80, s13;
	s22 =	sshra.s32 @!p1 s21, $0x1F;
	p2 =	por !p2, p1  }
0x28: {  	s24 =	smov.u32 s15;
	s21 =	sand.u32 @!p1 s22, s21;
	s0 =	simm.s32 @p2 $0xF  }
0x29: {  	s25 =	smov.u32 s16;
	p0 =	por !p0, !p0;
	s0 =	ssub.s32 @!p1 s0, s21  }
0x2a: {  	p3 =	sgt.s32 @!p1 s20, $0x1F;
	s22 =	sshra.s32 @!p1 s20, $0x1F;
	s21 =	sadd.s32 @!p1 $0xFFFFFFF1, s0  }
0x2b: {  	s0 =	ssub.s32 @!p1 $0x10, s0;
	p2 =	sgt.s32 @!p1 s21, $0x0;
	s21 =	smov.u32 s20  }
0x2c: {  	s20 =	sand.u32 @!p1 s22, s20;
	s22 =	sshra.s32 @!p1 s18, $0x1F;
	p2 =	por !p2, p1  }
0x2d: {  	s22 =	sand.u32 @!p1 s22, s18;
	s0 =	simm.s32 @!p2 $0x0;
	p2 =	por !p3, p1  }
0x2e: {  	p3 =	sgt.s32 @!p1 s18, $0x183;
	s21 =	simm.s32 @p2 $0x1F;
	p2 =	sgt.s32 @!p1 s19, $0x180  }
0x2f: {  	s20 =	ssub.s32 @!p1 s21, s20;
	s21 =	sshra.s32 @!p1 s19, $0x1F;
	p2 =	por !p2, p1  }
0x30: {  	p3 =	por !p3, p1;
	s21 =	sand.u32 @!p1 s21, s19;
	s19 =	simm.s32 @p2 $0x180  }
0x31: {  	s18 =	simm.s32 @p3 $0x183;
	s19 =	ssub.s32 @!p1 s19, s21;
	s21 =	sadd.s32 @!p1 $0xFFFFFFE1, s20  }
0x32: {  	s18 =	ssub.s32 @!p1 s18, s22;
	p2 =	sgt.s32 @!p1 s21, $0x0;
	s21 =	sadd.s32 @!p1 $0xFFFFFE80, s19  }
0x33: {  	s22 =	sadd.s32 @!p1 $0xFFFFFE7D, s18;
	s20 =	ssub.s32 @!p1 $0x20, s20;
	p3 =	sgt.s32 @!p1 s21, $0x7F  }
0x34: {  	s19 =	ssub.s32 @!p1 $0x200, s19;
	p2 =	por !p2, p1;
	p3 =	por !p3, p1  }
0x35: {  	s20 =	simm.s32 @!p2 $0x0;
	p2 =	sgt.s32 s23, $0x202;
	s19 =	simm.s32 @!p3 $0x0  }
0x36: {  	p3 =	sgt.s32 @!p1 s22, $0x7F;
	s0 =	smul.u32 @!p1 s0, s19;
	s19 =	simm.s32 $0x1  }
0x37: {  	s18 =	ssub.s32 @!p1 $0x203, s18;
	p3 =	por !p3, p1;
	s19 =	simm.s32 @!p2 $0x0  }
0x38: {  	s26 =	simm.s32 @!p1 $0x2;
	s18 =	simm.s32 @!p3 $0x0;
	s22 =	sadd.s32 s19, s14  }
0x39: {  	s0 =	smul.u32 @!p1 s20, s0;
	s19 =	sadd.s32 $0x100, s15;
	p3 =	sgt.s32 s22, $0x1F  }
0x3a: {  	s21 =	smov.u32 s12;
	s23 =	simm.s32 @p2 $0x0;
	s24 =	smov.u32 @p3 s19  }
0x3b: {  	s0 =	smul.u32 @!p1 s18, s0;
	s18 =	sadd.s32 $0x10, s16;
	p2 =	sgt.s32 s24, $0x1FF  }
0x3c: {  	s12 =	smov.u32 s16;
	s20 =	smov.u32 s10;
	s25 =	smov.u32 @p2 s18  }
0x3d: {  	s10 =	smov.u32 s14;
	s24 =	smov.u32 @p2 s1;
	p2 =	sgt.s32 s25, $0xF  }
0x3e: {  	s22 =	simm.s32 @p3 $0x0;
	s25 =	smov.u32 @p2 s3;
	p2 =	sne.s32 s17, s7  }
.Ltmp1:
0x3f: {  	s19 =	smov.u32 s11;
	s11 =	smov.u32 s15;
	(pc) =	sbr.rel @!p2 .LBB1_6-.Ltmp1, $4  }
0x40: {  	s14 =	smov.u32 s22;
	s0 =	sand.u32 @!p1 $0x3FFFFFFF, s0;
	s18 =	smov.u32 s9  }
0x41: {  	s9 =	smov.u32 s13;
	s13 =	smov.u32 s23;
	_ =	swait.ge @!p1 [sflag:s26], s0  }
0x42: {  	s0 =	ssub.s32 @!p1 $0x0, s0;
	s15 =	smov.u32 s24;
	[sflag:s26] =	ssyncset.done @!p1 $0x0  }
0x43: {  	s17 =	sadd.s32 $0x1, s17;
	[sflag:s26] =	ssyncadd.s32 @!p1 s0;
	s16 =	smov.u32 s25  }
.LBB1_1:
0x44: {  	p1 =	sge.u32 s17, s5  }
0x45: {  	s22 =	sshrl.u32 @!p1 s14, $0x3  }
0x46: {  	s23 =	sshll.u32 @!p1 s13, $0x3;
	s22 =	smul.u32 @!p1 $0x1400, s22  }
0x47: {  	s24 =	sshll.u32 @!p1 s14, $0x7;
	s23 =	sand.u32 @!p1 $0xFFFFFC00, s23  }
0x48: {  	s22 =	sadd.s32 @!p1 s22, s23;
	s23 =	sand.u32 @!p1 $0x380, s24  }
0x49: {  	s24 =	sand.u32 @!p1 $0x7F, s13;
	s22 =	sor.u32 @!p1 s23, s22  }
0x4a: {  	s23 =	sor.u32 @!p1 s24, s22  }
0x4b: {  	s24 =	smulhi.u32 @!p1 $0xCCCCCCCD, s23  }
0x4c: {  	s22 =	smulhi.u32 @!p1 $0xCCCCCCCD, s22  }
0x4d: {  	s31 =	sadd.s32 $0xFFFFFFFF, s17;
	s26 =	smul.u32 @!p1 $0x140000, s16;
	s24 =	sshrl.u32 @!p1 s24, $0x9  }
0x4e: {  	s25 =	sxor.u32 @!p1 $0xFFFFFFFF, s17;
	s22 =	sshrl.u32 @!p1 s22, $0x9;
	s24 =	smul.u32 @!p1 $0x280, s24  }
0x4f: {  	s27 =	smul.u32 @!p1 $0xA00, s15;
	s25 =	sshll.u32 @!p1 s25, $0xE;
	s22 =	sand.u32 @!p1 $0x1F, s22  }
0x50: {  	s22 =	smul.u32 @!p1 $0x50, s22;
	s23 =	ssub.s32 @!p1 s23, s24;
	s24 =	sadd.s32 @!p1 s6, s26  }
0x51: {  	s25 =	sand.u32 @!p1 $0x4000, s25;
	s24 =	sadd.s32 @!p1 s27, s24;
	s26 =	sand.u32 @!p1 $0x7, s23  }
0x52: {  	s23 =	sshrl.u32 @!p1 s23, $0x3;
	s22 =	sadd.s32 @!p1 s22, s24;
	s24 =	sshll.u32 @!p1 s26, $0x12  }
0x53: {  	s22 =	sadd.s32 @!p1 s23, s22;
	s23 =	sor.u32 @!p1 $0x80, s24;
	s24 =	simm.s32 @!p1 $0x5000  }
0x54: {  	[tilespmem:s25], [sflag:$0x1] =	stream.strided.gather @!p1 [hbm4b:s22+s23], $0x4000, s24, s23, $0x38;
	[tilespmem:$0x10100] =	vst v63  }
0x55: {  	p1 =	sge.u32 s31, s5  }
.Ltmp2:
0x56: {  	_ = 	snop;
	(pc) =	sbr.rel @p1 .LBB1_5-.Ltmp2, $1  }
0x57: {  	_ =	sdelay $0x3  }
0x58: {  	s22 =	simm.s32 $0x1  }
0x59: {  	_ =	swait.ge [sflag:s4], $0x4000;
	s22 =	simm.s32 @!p0 $0x0  }
0x5a: {  	[sflag:s4] =	ssyncset.done $0x0;
	s23 =	sshll.u32 s22, $0xE  }
0x5b: {  	[sflag:s4] =	ssyncadd.s32 $0xFFFFC000;
	s23 =	sor.u32 $0x40, s23  }
0x5c: {  	s22 =	smul.u32 $0x10200, s22;
	v0 =	vld [tilespmem:s23+$0x30]  }
0x5d: {  	v1 =	vld [tilespmem:s23+$0xFFFFFFD0]  }
0x5e: {  	s22 =	sshrl.u32 s22, $0x2;
	v5 =	vld [tilespmem:s23+$0xFFFFFFE0]  }
0x5f: {  	v6 =	vld [tilespmem:s23+$0xFFFFFFF0];
	s25 =	sor.u32 $0x8000, s22  }
0x60: {  	s31 =	sand.u32 $0x1, s17;
	v4 =	vld [tilespmem:s23+$0x0];
	s24 =	sadd.s32 $0x0, s25  }
0x61: {  	v3 =	vld [tilespmem:s23+$0x10];
	s22 =	smul.u32 $0x10200, s31;
	[tilespmem:s24+$0x3870 ss:$0x81] =	vst.msk $0xffff, v0  }
0x62: {  	v2 =	vld [tilespmem:s23+$0x20];
	[tilespmem:s24+$0x810 ss:$0x81] =	vst.msk $0xffff, v1  }
0x63: {  	s22 =	sshrl.u32 s22, $0x2;
	v0 =	vld [tilespmem:s23+$0xFFFFFFC0];
	[tilespmem:s24+$0x1020 ss:$0x81] =	vst.msk $0xffff, v5;
	s23 =	sadd.s32 $0x80, s23  }
0x64: {  	s26 =	simm.s32 $0x4;
	s27 =	simm.s32 $0x8;
	s22 =	sor.u32 $0x8000, s22;
	[tilespmem:s24+$0x1830 ss:$0x81] =	vst.msk $0xffff, v6;
	v1 =	vld [tilespmem:s23+$0x30]  }
.LBB1_3:
0x65: {  	p1 =	sne.s32 s27, $0x1FC;
	v5 =	vld [tilespmem:s23+$0xFFFFFFD0];
	[tilespmem:s24+$0x2040 ss:$0x81] =	vst.msk $0xffff, v4  }
0x66: {  	v6 =	vld [tilespmem:s23+$0xFFFFFFE0];
	[tilespmem:s24+$0x2850 ss:$0x81] =	vst.msk $0xffff, v3  }
0x67: {  	s28 =	sshra.s32 s26, $0x2;
	s26 =	smov.u32 s27;
	v7 =	vld [tilespmem:s23+$0xFFFFFFF0];
	[tilespmem:s24+$0x3060 ss:$0x81] =	vst.msk $0xffff, v2  }
.Ltmp3:
0x68: {  	v4 =	vld [tilespmem:s23+$0x0];
	[tilespmem:s24+$0x0 ss:$0x81] =	vst.msk $0xffff, v0;
	s24 =	sadd.s32 s28, s25;
	(pc) =	sbr.rel @p1 .LBB1_3-.Ltmp3, $4  }
0x69: {  	v3 =	vld [tilespmem:s23+$0x10];
	[tilespmem:s24+$0x3870 ss:$0x81] =	vst.msk $0xffff, v1  }
0x6a: {  	[tilespmem:s24+$0x810 ss:$0x81] =	vst.msk $0xffff, v5;
	v2 =	vld [tilespmem:s23+$0x20]  }
0x6b: {  	v0 =	vld [tilespmem:s23+$0xFFFFFFC0];
	[tilespmem:s24+$0x1020 ss:$0x81] =	vst.msk $0xffff, v6;
	s23 =	sadd.s32 $0x80, s23  }
0x6c: {  	s27 =	sadd.s32 $0x4, s27;
	v1 =	vld [tilespmem:s23+$0x30];
	[tilespmem:s24+$0x1830 ss:$0x81] =	vst.msk $0xffff, v7  }
.Ltmp4:
0x6d: {  	_ = 	snop;
	(pc) =	sbr.rel .LBB1_4-.Ltmp4, $1  }
0x6e: {  	_ =	sdelay $0x3  }
.LBB1_6:
0x6f: {  	_ =	sfence.sel $0x180000  }
0x70: {  	s0 =	simm.s32 $0x1;
	[bflag:$0x0] =	sbarrier.arrive $0xFFFF  }
0x71: {  	s31 =	simm.s32 $0x2;
	[sflag:s0] =	ssyncpa.u1 $0x1  }
0x72: {  	[sflag:s31] =	ssyncpa.u1 $0x1  }
0x73: {  	_ =	strace $0x90000047  }
0x74: {  	[bflag:$0x2] =	sbarrier.arrive $0xFFFF  }
0x75: {  	p0 =	sne.s32 s3, $0x0;
	s0 =	rddreg [dreg:$0x2]  }
0x76: {  	s0 =	sadd.s32 @!p0 $0x100000, s0  }
0x77: {  	[sflag:s0] =	ssyncadd.tile.s32 @!p0 $0x1;
	_ =	shalt  }
.Lfunc_end1:
_tile_overlayer_lowered:
.L_overlay_start_2:
0x78: {  	(tag) =	ssettag $0x2  }
0x79: {  	s0 =	rddreg [dreg:$0x0];
	s2 =	stileid.u32  }
0x7a: {  	s1 =	rddreg [dreg:$0x1];
	p0 =	sne.s32 s2, $0x0  }
0x7b: {  	s3 =	rddreg [dreg:$0x2];
	[bflag:$0x3] =	sbarrier.arrive $0xFFFF;
	s2 =	simm.s32 @!p0 $0x1C01  }
0x7c: {  	[timem:s3], [sflag:s2] =	dma.local @!p0 [hbm:s0], s1  }
0x7d: {  	s0 =	simm.s32 @!p0 $0x1  }
0x7e: {  	_ =	swait.ge @!p0 [sflag:s0], s1  }
0x7f: {  	s1 =	ssub.s32 @!p0 $0x0, s1;
	[sflag:s0] =	ssyncset.done @!p0 $0x0  }
0x80: {  	[sflag:s0] =	ssyncadd.s32 @!p0 s1  }
0x81: {  	[bflag:$0x3] =	sbarrier.arrive $0xFFFF  }
0x82: {  	_ =	shalt  }

</sc_bundles>
